<compile_context>
chip_gen: v7x
topology: tpu7x:2x2x1
jax: 0.10.2.dev20260603
libtpu: 0.0.44.dev20260713+nightly
codegen_flags: <defaults>
</compile_context>

<pallas_src>
import functools

import jax
from jax import lax
from jax.experimental import pallas as pl
from jax.experimental.pallas import tpu as pltpu
from jax.experimental.pallas import tpu_sc as plsc

_INFO = plsc.get_sparse_core_info()
_NC, _NS = _INFO.num_cores, _INFO.num_subcores
_NW = _NC * _NS
_CHUNK_ROWS = 16
_NBUF = 3


def _make_sc_copy(sl, dim, dtype):
    rows_per_w = sl // _NW
    n_chunks = rows_per_w // _CHUNK_ROWS
    mesh = plsc.VectorSubcoreMesh(core_axis_name="c", subcore_axis_name="s")

    @functools.partial(
        pl.kernel,
        mesh=mesh,
        out_type=jax.ShapeDtypeStruct((sl, dim), dtype),
        scratch_types=(
            [pltpu.VMEM_SHARED((_NS, _CHUNK_ROWS, dim), dtype)] * _NBUF
            + [pltpu.SemaphoreType.DMA] * (2 * _NBUF)
        ),
    )
    def sc_copy(tab, out, *refs):
        sid = lax.axis_index("s")
        bufs = [r.at[sid] for r in refs[:_NBUF]]
        lsems = refs[_NBUF : 2 * _NBUF]
        ssems = refs[2 * _NBUF :]
        wid = sid * _NC + lax.axis_index("c")
        base = wid * rows_per_w

        def src(i):
            return tab.at[pl.ds(base + i * _CHUNK_ROWS, _CHUNK_ROWS)]

        def dst(i):
            return out.at[pl.ds(base + i * _CHUNK_ROWS, _CHUNK_ROWS)]

        loads = [None] * n_chunks
        stores = [None] * n_chunks
        for i in range(min(_NBUF, n_chunks)):
            loads[i] = pltpu.async_copy(src(i), bufs[i], lsems[i])
        for i in range(n_chunks):
            b = i % _NBUF
            loads[i].wait()
            stores[i] = pltpu.async_copy(bufs[b], dst(i), ssems[b])
            nxt = i + _NBUF
            if nxt < n_chunks:
                stores[i].wait()
                loads[nxt] = pltpu.async_copy(src(nxt), bufs[b], lsems[b])
        for i in range(max(0, n_chunks - _NBUF), n_chunks):
            if stores[i] is not None and i + _NBUF >= n_chunks:
                stores[i].wait()

    return sc_copy


def kernel(x, emb_weight):
    sl = x.shape[1]
    dim = emb_weight.shape[1]
    return _make_sc_copy(sl, dim, emb_weight.dtype)(emb_weight[:sl])

# --- scband reference (transcript-rebuilt; emitter-appended) ---
"""Pipeline reference for scband-learned-position-embeddings-24034636988750 (READ-ONLY COPY).

The authoritative reference and input builder live on the scoring server;
editing this copy changes nothing except your own understanding.
"""

import jax, jax.numpy as jnp
import numpy as np

SEQ_LEN = 8192
MODEL_DIM = 2048


def setup_inputs(seed: int = 0) -> dict:
    key = jax.random.key(seed)
    k1, k2 = jax.random.split(key)
    x = jax.random.normal(k1, (2, 8192, 2048), dtype=jnp.float32)
    # learned embedding table, normal init with std=0.02 as in the torch module
    emb_weight = jax.random.normal(k2, (SEQ_LEN, MODEL_DIM), dtype=jnp.float32) * 0.02
    return {"x": x, "emb_weight": emb_weight}


def reference(x, emb_weight):
    # forward: return positional embeddings for positions 0..x.shape[1]-1
    sl = x.shape[1]
    idx = jnp.arange(0, sl)
    return jnp.take(emb_weight, idx, axis=0)

if __name__ == "__main__":
    import jax
    _d = setup_inputs()
    print(jax.jit(kernel)(*tuple(_d.values())))

</pallas_src>

<mosaic_0001>
#map = affine_map<(d0, d1) -> (0, 0)>
module attributes {stable_mosaic.version = 14 : i64} {
  func.func @sc_copy(%arg0: i32, %arg1: i32, %arg2: memref<8192x2048xf32, #tpu.memory_space<hbm>>, %arg3: memref<8192x2048xf32, #tpu.memory_space<hbm>>, %arg4: memref<16x16x2048xf32, #tpu.memory_space<vmem_shared>>, %arg5: memref<16x16x2048xf32, #tpu.memory_space<vmem_shared>>, %arg6: memref<16x16x2048xf32, #tpu.memory_space<vmem_shared>>, %arg7: memref<!tpu.dma_semaphore, #tpu.memory_space<semaphore_mem>>, %arg8: memref<!tpu.dma_semaphore, #tpu.memory_space<semaphore_mem>>, %arg9: memref<!tpu.dma_semaphore, #tpu.memory_space<semaphore_mem>>, %arg10: memref<!tpu.dma_semaphore, #tpu.memory_space<semaphore_mem>>, %arg11: memref<!tpu.dma_semaphore, #tpu.memory_space<semaphore_mem>>, %arg12: memref<!tpu.dma_semaphore, #tpu.memory_space<semaphore_mem>>) attributes {dimension_semantics = [#tpu.dimension_semantics<core_parallel>, #tpu.dimension_semantics<subcore_parallel>], iteration_bounds = array<i64: 2, 16>, scalar_prefetch = 0 : i64, scratch_operands = 9 : i64, tpu.core_type = #tpu.core_type<sc_vector_subcore>, window_params = [{transform_indices = #map}, {transform_indices = #map}]} {
    %mul3A = arith.constant 2 : i32
    %mul3A_0 = arith.muli %arg1, %mul3A : i32
    %add3A = arith.addi %mul3A_0, %arg0 : i32
    %mul3A_1 = arith.constant 256 : i32
    %mul3A_2 = arith.muli %add3A, %mul3A_1 : i32
    %add3A_3 = arith.constant 0 : i32
    %add3A_4 = arith.addi %mul3A_2, %add3A_3 : i32
    %dma_start3A = arith.constant 0 : i32
    %dma_start3A_5 = arith.constant 0 : i32
    %dma_start3A_6 = tpu.memref_slice %arg4[%arg1, %dma_start3A, %dma_start3A_5] : memref<16x16x2048xf32, #tpu.memory_space<vmem_shared>> -> memref<1x16x2048xf32, #tpu.memory_space<vmem_shared>>
    %dma_start3A_7 = tpu.memref_squeeze %dma_start3A_6 : memref<1x16x2048xf32, #tpu.memory_space<vmem_shared>> -> memref<16x2048xf32, #tpu.memory_space<vmem_shared>>
    %dma_start3A_8 = arith.constant 0 : i32
    %dma_start3A_9 = tpu.memref_slice %arg2[%add3A_4, %dma_start3A_8] : memref<8192x2048xf32, #tpu.memory_space<hbm>> -> memref<16x2048xf32, #tpu.memory_space<hbm>>
    tpu.enqueue_dma source(%dma_start3A_9 : memref<16x2048xf32, #tpu.memory_space<hbm>>) target(%dma_start3A_7 : memref<16x2048xf32, #tpu.memory_space<vmem_shared>>) target_semaphore(%arg7 : memref<!tpu.dma_semaphore, #tpu.memory_space<semaphore_mem>>)
    %add3A_10 = arith.constant 16 : i32
    %add3A_11 = arith.addi %mul3A_2, %add3A_10 : i32
    %dma_start3A_12 = arith.constant 0 : i32
    %dma_start3A_13 = arith.constant 0 : i32
    %dma_start3A_14 = tpu.memref_slice %arg5[%arg1, %dma_start3A_12, %dma_start3A_13] : memref<16x16x2048xf32, #tpu.memory_space<vmem_shared>> -> memref<1x16x2048xf32, #tpu.memory_space<vmem_shared>>
    %dma_start3A_15 = tpu.memref_squeeze %dma_start3A_14 : memref<1x16x2048xf32, #tpu.memory_space<vmem_shared>> -> memref<16x2048xf32, #tpu.memory_space<vmem_shared>>
    %dma_start3A_16 = arith.constant 0 : i32
    %dma_start3A_17 = tpu.memref_slice %arg2[%add3A_11, %dma_start3A_16] : memref<8192x2048xf32, #tpu.memory_space<hbm>> -> memref<16x2048xf32, #tpu.memory_space<hbm>>
    tpu.enqueue_dma source(%dma_start3A_17 : memref<16x2048xf32, #tpu.memory_space<hbm>>) target(%dma_start3A_15 : memref<16x2048xf32, #tpu.memory_space<vmem_shared>>) target_semaphore(%arg8 : memref<!tpu.dma_semaphore, #tpu.memory_space<semaphore_mem>>)
    %add3A_18 = arith.constant 32 : i32
    %add3A_19 = arith.addi %mul3A_2, %add3A_18 : i32
    %dma_start3A_20 = arith.constant 0 : i32
    %dma_start3A_21 = arith.constant 0 : i32
    %dma_start3A_22 = tpu.memref_slice %arg6[%arg1, %dma_start3A_20, %dma_start3A_21] : memref<16x16x2048xf32, #tpu.memory_space<vmem_shared>> -> memref<1x16x2048xf32, #tpu.memory_space<vmem_shared>>
    %dma_start3A_23 = tpu.memref_squeeze %dma_start3A_22 : memref<1x16x2048xf32, #tpu.memory_space<vmem_shared>> -> memref<16x2048xf32, #tpu.memory_space<vmem_shared>>
    %dma_start3A_24 = arith.constant 0 : i32
    %dma_start3A_25 = tpu.memref_slice %arg2[%add3A_19, %dma_start3A_24] : memref<8192x2048xf32, #tpu.memory_space<hbm>> -> memref<16x2048xf32, #tpu.memory_space<hbm>>
    tpu.enqueue_dma source(%dma_start3A_25 : memref<16x2048xf32, #tpu.memory_space<hbm>>) target(%dma_start3A_23 : memref<16x2048xf32, #tpu.memory_space<vmem_shared>>) target_semaphore(%arg9 : memref<!tpu.dma_semaphore, #tpu.memory_space<semaphore_mem>>)
    %dma_wait3A = arith.constant 0 : i32
    %dma_wait3A_26 = arith.constant 0 : i32
    %dma_wait3A_27 = tpu.memref_slice %arg4[%arg1, %dma_wait3A, %dma_wait3A_26] : memref<16x16x2048xf32, #tpu.memory_space<vmem_shared>> -> memref<1x16x2048xf32, #tpu.memory_space<vmem_shared>>
    %dma_wait3A_28 = tpu.memref_squeeze %dma_wait3A_27 : memref<1x16x2048xf32, #tpu.memory_space<vmem_shared>> -> memref<16x2048xf32, #tpu.memory_space<vmem_shared>>
    %dma_wait3A_29 = arith.constant 0 : i32
    %dma_wait3A_30 = tpu.memref_slice %arg2[%add3A_4, %dma_wait3A_29] : memref<8192x2048xf32, #tpu.memory_space<hbm>> -> memref<16x2048xf32, #tpu.memory_space<hbm>>
    tpu.wait_dma2 semaphore(%arg7 : memref<!tpu.dma_semaphore, #tpu.memory_space<semaphore_mem>>) src(%dma_wait3A_30 : memref<16x2048xf32, #tpu.memory_space<hbm>>) dst(%dma_wait3A_28 : memref<16x2048xf32, #tpu.memory_space<vmem_shared>>)
    %add3A_31 = arith.constant 0 : i32
    %add3A_32 = arith.addi %mul3A_2, %add3A_31 : i32
    %dma_start3A_33 = arith.constant 0 : i32
    %dma_start3A_34 = tpu.memref_slice %arg3[%add3A_32, %dma_start3A_33] : memref<8192x2048xf32, #tpu.memory_space<hbm>> -> memref<16x2048xf32, #tpu.memory_space<hbm>>
    %dma_start3A_35 = arith.constant 0 : i32
    %dma_start3A_36 = arith.constant 0 : i32
    %dma_start3A_37 = tpu.memref_slice %arg4[%arg1, %dma_start3A_35, %dma_start3A_36] : memref<16x16x2048xf32, #tpu.memory_space<vmem_shared>> -> memref<1x16x2048xf32, #tpu.memory_space<vmem_shared>>
    %dma_start3A_38 = tpu.memref_squeeze %dma_start3A_37 : memref<1x16x2048xf32, #tpu.memory_space<vmem_shared>> -> memref<16x2048xf32, #tpu.memory_space<vmem_shared>>
    tpu.enqueue_dma source(%dma_start3A_38 : memref<16x2048xf32, #tpu.memory_space<vmem_shared>>) target(%dma_start3A_34 : memref<16x2048xf32, #tpu.memory_space<hbm>>) target_semaphore(%arg10 : memref<!tpu.dma_semaphore, #tpu.memory_space<semaphore_mem>>)
    %dma_wait3A_39 = arith.constant 0 : i32
    %dma_wait3A_40 = tpu.memref_slice %arg3[%add3A_32, %dma_wait3A_39] : memref<8192x2048xf32, #tpu.memory_space<hbm>> -> memref<16x2048xf32, #tpu.memory_space<hbm>>
    %dma_wait3A_41 = arith.constant 0 : i32
    %dma_wait3A_42 = arith.constant 0 : i32
    %dma_wait3A_43 = tpu.memref_slice %arg4[%arg1, %dma_wait3A_41, %dma_wait3A_42] : memref<16x16x2048xf32, #tpu.memory_space<vmem_shared>> -> memref<1x16x2048xf32, #tpu.memory_space<vmem_shared>>
    %dma_wait3A_44 = tpu.memref_squeeze %dma_wait3A_43 : memref<1x16x2048xf32, #tpu.memory_space<vmem_shared>> -> memref<16x2048xf32, #tpu.memory_space<vmem_shared>>
    tpu.wait_dma2 semaphore(%arg10 : memref<!tpu.dma_semaphore, #tpu.memory_space<semaphore_mem>>) src(%dma_wait3A_44 : memref<16x2048xf32, #tpu.memory_space<vmem_shared>>) dst(%dma_wait3A_40 : memref<16x2048xf32, #tpu.memory_space<hbm>>)
    %add3A_45 = arith.constant 48 : i32
    %add3A_46 = arith.addi %mul3A_2, %add3A_45 : i32
    %dma_start3A_47 = arith.constant 0 : i32
    %dma_start3A_48 = arith.constant 0 : i32
    %dma_start3A_49 = tpu.memref_slice %arg4[%arg1, %dma_start3A_47, %dma_start3A_48] : memref<16x16x2048xf32, #tpu.memory_space<vmem_shared>> -> memref<1x16x2048xf32, #tpu.memory_space<vmem_shared>>
    %dma_start3A_50 = tpu.memref_squeeze %dma_start3A_49 : memref<1x16x2048xf32, #tpu.memory_space<vmem_shared>> -> memref<16x2048xf32, #tpu.memory_space<vmem_shared>>
    %dma_start3A_51 = arith.constant 0 : i32
    %dma_start3A_52 = tpu.memref_slice %arg2[%add3A_46, %dma_start3A_51] : memref<8192x2048xf32, #tpu.memory_space<hbm>> -> memref<16x2048xf32, #tpu.memory_space<hbm>>
    tpu.enqueue_dma source(%dma_start3A_52 : memref<16x2048xf32, #tpu.memory_space<hbm>>) target(%dma_start3A_50 : memref<16x2048xf32, #tpu.memory_space<vmem_shared>>) target_semaphore(%arg7 : memref<!tpu.dma_semaphore, #tpu.memory_space<semaphore_mem>>)
    %dma_wait3A_53 = arith.constant 0 : i32
    %dma_wait3A_54 = arith.constant 0 : i32
    %dma_wait3A_55 = tpu.memref_slice %arg5[%arg1, %dma_wait3A_53, %dma_wait3A_54] : memref<16x16x2048xf32, #tpu.memory_space<vmem_shared>> -> memref<1x16x2048xf32, #tpu.memory_space<vmem_shared>>
    %dma_wait3A_56 = tpu.memref_squeeze %dma_wait3A_55 : memref<1x16x2048xf32, #tpu.memory_space<vmem_shared>> -> memref<16x2048xf32, #tpu.memory_space<vmem_shared>>
    %dma_wait3A_57 = arith.constant 0 : i32
    %dma_wait3A_58 = tpu.memref_slice %arg2[%add3A_11, %dma_wait3A_57] : memref<8192x2048xf32, #tpu.memory_space<hbm>> -> memref<16x2048xf32, #tpu.memory_space<hbm>>
    tpu.wait_dma2 semaphore(%arg8 : memref<!tpu.dma_semaphore, #tpu.memory_space<semaphore_mem>>) src(%dma_wait3A_58 : memref<16x2048xf32, #tpu.memory_space<hbm>>) dst(%dma_wait3A_56 : memref<16x2048xf32, #tpu.memory_space<vmem_shared>>)
    %add3A_59 = arith.constant 16 : i32
    %add3A_60 = arith.addi %mul3A_2, %add3A_59 : i32
    %dma_start3A_61 = arith.constant 0 : i32
    %dma_start3A_62 = tpu.memref_slice %arg3[%add3A_60, %dma_start3A_61] : memref<8192x2048xf32, #tpu.memory_space<hbm>> -> memref<16x2048xf32, #tpu.memory_space<hbm>>
    %dma_start3A_63 = arith.constant 0 : i32
    %dma_start3A_64 = arith.constant 0 : i32
    %dma_start3A_65 = tpu.memref_slice %arg5[%arg1, %dma_start3A_63, %dma_start3A_64] : memref<16x16x2048xf32, #tpu.memory_space<vmem_shared>> -> memref<1x16x2048xf32, #tpu.memory_space<vmem_shared>>
    %dma_start3A_66 = tpu.memref_squeeze %dma_start3A_65 : memref<1x16x2048xf32, #tpu.memory_space<vmem_shared>> -> memref<16x2048xf32, #tpu.memory_space<vmem_shared>>
    tpu.enqueue_dma source(%dma_start3A_66 : memref<16x2048xf32, #tpu.memory_space<vmem_shared>>) target(%dma_start3A_62 : memref<16x2048xf32, #tpu.memory_space<hbm>>) target_semaphore(%arg11 : memref<!tpu.dma_semaphore, #tpu.memory_space<semaphore_mem>>)
    %dma_wait3A_67 = arith.constant 0 : i32
    %dma_wait3A_68 = tpu.memref_slice %arg3[%add3A_60, %dma_wait3A_67] : memref<8192x2048xf32, #tpu.memory_space<hbm>> -> memref<16x2048xf32, #tpu.memory_space<hbm>>
    %dma_wait3A_69 = arith.constant 0 : i32
    %dma_wait3A_70 = arith.constant 0 : i32
    %dma_wait3A_71 = tpu.memref_slice %arg5[%arg1, %dma_wait3A_69, %dma_wait3A_70] : memref<16x16x2048xf32, #tpu.memory_space<vmem_shared>> -> memref<1x16x2048xf32, #tpu.memory_space<vmem_shared>>
    %dma_wait3A_72 = tpu.memref_squeeze %dma_wait3A_71 : memref<1x16x2048xf32, #tpu.memory_space<vmem_shared>> -> memref<16x2048xf32, #tpu.memory_space<vmem_shared>>
    tpu.wait_dma2 semaphore(%arg11 : memref<!tpu.dma_semaphore, #tpu.memory_space<semaphore_mem>>) src(%dma_wait3A_72 : memref<16x2048xf32, #tpu.memory_space<vmem_shared>>) dst(%dma_wait3A_68 : memref<16x2048xf32, #tpu.memory_space<hbm>>)
    %add3A_73 = arith.constant 64 : i32
    %add3A_74 = arith.addi %mul3A_2, %add3A_73 : i32
    %dma_start3A_75 = arith.constant 0 : i32
    %dma_start3A_76 = arith.constant 0 : i32
    %dma_start3A_77 = tpu.memref_slice %arg5[%arg1, %dma_start3A_75, %dma_start3A_76] : memref<16x16x2048xf32, #tpu.memory_space<vmem_shared>> -> memref<1x16x2048xf32, #tpu.memory_space<vmem_shared>>
    %dma_start3A_78 = tpu.memref_squeeze %dma_start3A_77 : memref<1x16x2048xf32, #tpu.memory_space<vmem_shared>> -> memref<16x2048xf32, #tpu.memory_space<vmem_shared>>
    %dma_start3A_79 = arith.constant 0 : i32
    %dma_start3A_80 = tpu.memref_slice %arg2[%add3A_74, %dma_start3A_79] : memref<8192x2048xf32, #tpu.memory_space<hbm>> -> memref<16x2048xf32, #tpu.memory_space<hbm>>
    tpu.enqueue_dma source(%dma_start3A_80 : memref<16x2048xf32, #tpu.memory_space<hbm>>) target(%dma_start3A_78 : memref<16x2048xf32, #tpu.memory_space<vmem_shared>>) target_semaphore(%arg8 : memref<!tpu.dma_semaphore, #tpu.memory_space<semaphore_mem>>)
    %dma_wait3A_81 = arith.constant 0 : i32
    %dma_wait3A_82 = arith.constant 0 : i32
    %dma_wait3A_83 = tpu.memref_slice %arg6[%arg1, %dma_wait3A_81, %dma_wait3A_82] : memref<16x16x2048xf32, #tpu.memory_space<vmem_shared>> -> memref<1x16x2048xf32, #tpu.memory_space<vmem_shared>>
    %dma_wait3A_84 = tpu.memref_squeeze %dma_wait3A_83 : memref<1x16x2048xf32, #tpu.memory_space<vmem_shared>> -> memref<16x2048xf32, #tpu.memory_space<vmem_shared>>
    %dma_wait3A_85 = arith.constant 0 : i32
    %dma_wait3A_86 = tpu.memref_slice %arg2[%add3A_19, %dma_wait3A_85] : memref<8192x2048xf32, #tpu.memory_space<hbm>> -> memref<16x2048xf32, #tpu.memory_space<hbm>>
    tpu.wait_dma2 semaphore(%arg9 : memref<!tpu.dma_semaphore, #tpu.memory_space<semaphore_mem>>) src(%dma_wait3A_86 : memref<16x2048xf32, #tpu.memory_space<hbm>>) dst(%dma_wait3A_84 : memref<16x2048xf32, #tpu.memory_space<vmem_shared>>)
    %add3A_87 = arith.constant 32 : i32
    %add3A_88 = arith.addi %mul3A_2, %add3A_87 : i32
    %dma_start3A_89 = arith.constant 0 : i32
    %dma_start3A_90 = tpu.memref_slice %arg3[%add3A_88, %dma_start3A_89] : memref<8192x2048xf32, #tpu.memory_space<hbm>> -> memref<16x2048xf32, #tpu.memory_space<hbm>>
    %dma_start3A_91 = arith.constant 0 : i32
    %dma_start3A_92 = arith.constant 0 : i32
    %dma_start3A_93 = tpu.memref_slice %arg6[%arg1, %dma_start3A_91, %dma_start3A_92] : memref<16x16x2048xf32, #tpu.memory_space<vmem_shared>> -> memref<1x16x2048xf32, #tpu.memory_space<vmem_shared>>
    %dma_start3A_94 = tpu.memref_squeeze %dma_start3A_93 : memref<1x16x2048xf32, #tpu.memory_space<vmem_shared>> -> memref<16x2048xf32, #tpu.memory_space<vmem_shared>>
    tpu.enqueue_dma source(%dma_start3A_94 : memref<16x2048xf32, #tpu.memory_space<vmem_shared>>) target(%dma_start3A_90 : memref<16x2048xf32, #tpu.memory_space<hbm>>) target_semaphore(%arg12 : memref<!tpu.dma_semaphore, #tpu.memory_space<semaphore_mem>>)
    %dma_wait3A_95 = arith.constant 0 : i32
    %dma_wait3A_96 = tpu.memref_slice %arg3[%add3A_88, %dma_wait3A_95] : memref<8192x2048xf32, #tpu.memory_space<hbm>> -> memref<16x2048xf32, #tpu.memory_space<hbm>>
    %dma_wait3A_97 = arith.constant 0 : i32
    %dma_wait3A_98 = arith.constant 0 : i32
    %dma_wait3A_99 = tpu.memref_slice %arg6[%arg1, %dma_wait3A_97, %dma_wait3A_98] : memref<16x16x2048xf32, #tpu.memory_space<vmem_shared>> -> memref<1x16x2048xf32, #tpu.memory_space<vmem_shared>>
    %dma_wait3A_100 = tpu.memref_squeeze %dma_wait3A_99 : memref<1x16x2048xf32, #tpu.memory_space<vmem_shared>> -> memref<16x2048xf32, #tpu.memory_space<vmem_shared>>
    tpu.wait_dma2 semaphore(%arg12 : memref<!tpu.dma_semaphore, #tpu.memory_space<semaphore_mem>>) src(%dma_wait3A_100 : memref<16x2048xf32, #tpu.memory_space<vmem_shared>>) dst(%dma_wait3A_96 : memref<16x2048xf32, #tpu.memory_space<hbm>>)
    %add3A_101 = arith.constant 80 : i32
    %add3A_102 = arith.addi %mul3A_2, %add3A_101 : i32
    %dma_start3A_103 = arith.constant 0 : i32
    %dma_start3A_104 = arith.constant 0 : i32
    %dma_start3A_105 = tpu.memref_slice %arg6[%arg1, %dma_start3A_103, %dma_start3A_104] : memref<16x16x2048xf32, #tpu.memory_space<vmem_shared>> -> memref<1x16x2048xf32, #tpu.memory_space<vmem_shared>>
    %dma_start3A_106 = tpu.memref_squeeze %dma_start3A_105 : memref<1x16x2048xf32, #tpu.memory_space<vmem_shared>> -> memref<16x2048xf32, #tpu.memory_space<vmem_shared>>
    %dma_start3A_107 = arith.constant 0 : i32
    %dma_start3A_108 = tpu.memref_slice %arg2[%add3A_102, %dma_start3A_107] : memref<8192x2048xf32, #tpu.memory_space<hbm>> -> memref<16x2048xf32, #tpu.memory_space<hbm>>
    tpu.enqueue_dma source(%dma_start3A_108 : memref<16x2048xf32, #tpu.memory_space<hbm>>) target(%dma_start3A_106 : memref<16x2048xf32, #tpu.memory_space<vmem_shared>>) target_semaphore(%arg9 : memref<!tpu.dma_semaphore, #tpu.memory_space<semaphore_mem>>)
    %dma_wait3A_109 = arith.constant 0 : i32
    %dma_wait3A_110 = arith.constant 0 : i32
    %dma_wait3A_111 = tpu.memref_slice %arg4[%arg1, %dma_wait3A_109, %dma_wait3A_110] : memref<16x16x2048xf32, #tpu.memory_space<vmem_shared>> -> memref<1x16x2048xf32, #tpu.memory_space<vmem_shared>>
    %dma_wait3A_112 = tpu.memref_squeeze %dma_wait3A_111 : memref<1x16x2048xf32, #tpu.memory_space<vmem_shared>> -> memref<16x2048xf32, #tpu.memory_space<vmem_shared>>
    %dma_wait3A_113 = arith.constant 0 : i32
    %dma_wait3A_114 = tpu.memref_slice %arg2[%add3A_46, %dma_wait3A_113] : memref<8192x2048xf32, #tpu.memory_space<hbm>> -> memref<16x2048xf32, #tpu.memory_space<hbm>>
    tpu.wait_dma2 semaphore(%arg7 : memref<!tpu.dma_semaphore, #tpu.memory_space<semaphore_mem>>) src(%dma_wait3A_114 : memref<16x2048xf32, #tpu.memory_space<hbm>>) dst(%dma_wait3A_112 : memref<16x2048xf32, #tpu.memory_space<vmem_shared>>)
    %add3A_115 = arith.constant 48 : i32
    %add3A_116 = arith.addi %mul3A_2, %add3A_115 : i32
    %dma_start3A_117 = arith.constant 0 : i32
    %dma_start3A_118 = tpu.memref_slice %arg3[%add3A_116, %dma_start3A_117] : memref<8192x2048xf32, #tpu.memory_space<hbm>> -> memref<16x2048xf32, #tpu.memory_space<hbm>>
    %dma_start3A_119 = arith.constant 0 : i32
    %dma_start3A_120 = arith.constant 0 : i32
    %dma_start3A_121 = tpu.memref_slice %arg4[%arg1, %dma_start3A_119, %dma_start3A_120] : memref<16x16x2048xf32, #tpu.memory_space<vmem_shared>> -> memref<1x16x2048xf32, #tpu.memory_space<vmem_shared>>
    %dma_start3A_122 = tpu.memref_squeeze %dma_start3A_121 : memref<1x16x2048xf32, #tpu.memory_space<vmem_shared>> -> memref<16x2048xf32, #tpu.memory_space<vmem_shared>>
    tpu.enqueue_dma source(%dma_start3A_122 : memref<16x2048xf32, #tpu.memory_space<vmem_shared>>) target(%dma_start3A_118 : memref<16x2048xf32, #tpu.memory_space<hbm>>) target_semaphore(%arg10 : memref<!tpu.dma_semaphore, #tpu.memory_space<semaphore_mem>>)
    %dma_wait3A_123 = arith.constant 0 : i32
    %dma_wait3A_124 = tpu.memref_slice %arg3[%add3A_116, %dma_wait3A_123] : memref<8192x2048xf32, #tpu.memory_space<hbm>> -> memref<16x2048xf32, #tpu.memory_space<hbm>>
    %dma_wait3A_125 = arith.constant 0 : i32
    %dma_wait3A_126 = arith.constant 0 : i32
    %dma_wait3A_127 = tpu.memref_slice %arg4[%arg1, %dma_wait3A_125, %dma_wait3A_126] : memref<16x16x2048xf32, #tpu.memory_space<vmem_shared>> -> memref<1x16x2048xf32, #tpu.memory_space<vmem_shared>>
    %dma_wait3A_128 = tpu.memref_squeeze %dma_wait3A_127 : memref<1x16x2048xf32, #tpu.memory_space<vmem_shared>> -> memref<16x2048xf32, #tpu.memory_space<vmem_shared>>
    tpu.wait_dma2 semaphore(%arg10 : memref<!tpu.dma_semaphore, #tpu.memory_space<semaphore_mem>>) src(%dma_wait3A_128 : memref<16x2048xf32, #tpu.memory_space<vmem_shared>>) dst(%dma_wait3A_124 : memref<16x2048xf32, #tpu.memory_space<hbm>>)
    %add3A_129 = arith.constant 96 : i32
    %add3A_130 = arith.addi %mul3A_2, %add3A_129 : i32
    %dma_start3A_131 = arith.constant 0 : i32
    %dma_start3A_132 = arith.constant 0 : i32
    %dma_start3A_133 = tpu.memref_slice %arg4[%arg1, %dma_start3A_131, %dma_start3A_132] : memref<16x16x2048xf32, #tpu.memory_space<vmem_shared>> -> memref<1x16x2048xf32, #tpu.memory_space<vmem_shared>>
    %dma_start3A_134 = tpu.memref_squeeze %dma_start3A_133 : memref<1x16x2048xf32, #tpu.memory_space<vmem_shared>> -> memref<16x2048xf32, #tpu.memory_space<vmem_shared>>
    %dma_start3A_135 = arith.constant 0 : i32
    %dma_start3A_136 = tpu.memref_slice %arg2[%add3A_130, %dma_start3A_135] : memref<8192x2048xf32, #tpu.memory_space<hbm>> -> memref<16x2048xf32, #tpu.memory_space<hbm>>
    tpu.enqueue_dma source(%dma_start3A_136 : memref<16x2048xf32, #tpu.memory_space<hbm>>) target(%dma_start3A_134 : memref<16x2048xf32, #tpu.memory_space<vmem_shared>>) target_semaphore(%arg7 : memref<!tpu.dma_semaphore, #tpu.memory_space<semaphore_mem>>)
    %dma_wait3A_137 = arith.constant 0 : i32
    %dma_wait3A_138 = arith.constant 0 : i32
    %dma_wait3A_139 = tpu.memref_slice %arg5[%arg1, %dma_wait3A_137, %dma_wait3A_138] : memref<16x16x2048xf32, #tpu.memory_space<vmem_shared>> -> memref<1x16x2048xf32, #tpu.memory_space<vmem_shared>>
    %dma_wait3A_140 = tpu.memref_squeeze %dma_wait3A_139 : memref<1x16x2048xf32, #tpu.memory_space<vmem_shared>> -> memref<16x2048xf32, #tpu.memory_space<vmem_shared>>
    %dma_wait3A_141 = arith.constant 0 : i32
    %dma_wait3A_142 = tpu.memref_slice %arg2[%add3A_74, %dma_wait3A_141] : memref<8192x2048xf32, #tpu.memory_space<hbm>> -> memref<16x2048xf32, #tpu.memory_space<hbm>>
    tpu.wait_dma2 semaphore(%arg8 : memref<!tpu.dma_semaphore, #tpu.memory_space<semaphore_mem>>) src(%dma_wait3A_142 : memref<16x2048xf32, #tpu.memory_space<hbm>>) dst(%dma_wait3A_140 : memref<16x2048xf32, #tpu.memory_space<vmem_shared>>)
    %add3A_143 = arith.constant 64 : i32
    %add3A_144 = arith.addi %mul3A_2, %add3A_143 : i32
    %dma_start3A_145 = arith.constant 0 : i32
    %dma_start3A_146 = tpu.memref_slice %arg3[%add3A_144, %dma_start3A_145] : memref<8192x2048xf32, #tpu.memory_space<hbm>> -> memref<16x2048xf32, #tpu.memory_space<hbm>>
    %dma_start3A_147 = arith.constant 0 : i32
    %dma_start3A_148 = arith.constant 0 : i32
    %dma_start3A_149 = tpu.memref_slice %arg5[%arg1, %dma_start3A_147, %dma_start3A_148] : memref<16x16x2048xf32, #tpu.memory_space<vmem_shared>> -> memref<1x16x2048xf32, #tpu.memory_space<vmem_shared>>
    %dma_start3A_150 = tpu.memref_squeeze %dma_start3A_149 : memref<1x16x2048xf32, #tpu.memory_space<vmem_shared>> -> memref<16x2048xf32, #tpu.memory_space<vmem_shared>>
    tpu.enqueue_dma source(%dma_start3A_150 : memref<16x2048xf32, #tpu.memory_space<vmem_shared>>) target(%dma_start3A_146 : memref<16x2048xf32, #tpu.memory_space<hbm>>) target_semaphore(%arg11 : memref<!tpu.dma_semaphore, #tpu.memory_space<semaphore_mem>>)
    %dma_wait3A_151 = arith.constant 0 : i32
    %dma_wait3A_152 = tpu.memref_slice %arg3[%add3A_144, %dma_wait3A_151] : memref<8192x2048xf32, #tpu.memory_space<hbm>> -> memref<16x2048xf32, #tpu.memory_space<hbm>>
    %dma_wait3A_153 = arith.constant 0 : i32
    %dma_wait3A_154 = arith.constant 0 : i32
    %dma_wait3A_155 = tpu.memref_slice %arg5[%arg1, %dma_wait3A_153, %dma_wait3A_154] : memref<16x16x2048xf32, #tpu.memory_space<vmem_shared>> -> memref<1x16x2048xf32, #tpu.memory_space<vmem_shared>>
    %dma_wait3A_156 = tpu.memref_squeeze %dma_wait3A_155 : memref<1x16x2048xf32, #tpu.memory_space<vmem_shared>> -> memref<16x2048xf32, #tpu.memory_space<vmem_shared>>
    tpu.wait_dma2 semaphore(%arg11 : memref<!tpu.dma_semaphore, #tpu.memory_space<semaphore_mem>>) src(%dma_wait3A_156 : memref<16x2048xf32, #tpu.memory_space<vmem_shared>>) dst(%dma_wait3A_152 : memref<16x2048xf32, #tpu.memory_space<hbm>>)
    %add3A_157 = arith.constant 112 : i32
    %add3A_158 = arith.addi %mul3A_2, %add3A_157 : i32
    %dma_start3A_159 = arith.constant 0 : i32
    %dma_start3A_160 = arith.constant 0 : i32
    %dma_start3A_161 = tpu.memref_slice %arg5[%arg1, %dma_start3A_159, %dma_start3A_160] : memref<16x16x2048xf32, #tpu.memory_space<vmem_shared>> -> memref<1x16x2048xf32, #tpu.memory_space<vmem_shared>>
    %dma_start3A_162 = tpu.memref_squeeze %dma_start3A_161 : memref<1x16x2048xf32, #tpu.memory_space<vmem_shared>> -> memref<16x2048xf32, #tpu.memory_space<vmem_shared>>
    %dma_start3A_163 = arith.constant 0 : i32
    %dma_start3A_164 = tpu.memref_slice %arg2[%add3A_158, %dma_start3A_163] : memref<8192x2048xf32, #tpu.memory_space<hbm>> -> memref<16x2048xf32, #tpu.memory_space<hbm>>
    tpu.enqueue_dma source(%dma_start3A_164 : memref<16x2048xf32, #tpu.memory_space<hbm>>) target(%dma_start3A_162 : memref<16x2048xf32, #tpu.memory_space<vmem_shared>>) target_semaphore(%arg8 : memref<!tpu.dma_semaphore, #tpu.memory_space<semaphore_mem>>)
    %dma_wait3A_165 = arith.constant 0 : i32
    %dma_wait3A_166 = arith.constant 0 : i32
    %dma_wait3A_167 = tpu.memref_slice %arg6[%arg1, %dma_wait3A_165, %dma_wait3A_166] : memref<16x16x2048xf32, #tpu.memory_space<vmem_shared>> -> memref<1x16x2048xf32, #tpu.memory_space<vmem_shared>>
    %dma_wait3A_168 = tpu.memref_squeeze %dma_wait3A_167 : memref<1x16x2048xf32, #tpu.memory_space<vmem_shared>> -> memref<16x2048xf32, #tpu.memory_space<vmem_shared>>
    %dma_wait3A_169 = arith.constant 0 : i32
    %dma_wait3A_170 = tpu.memref_slice %arg2[%add3A_102, %dma_wait3A_169] : memref<8192x2048xf32, #tpu.memory_space<hbm>> -> memref<16x2048xf32, #tpu.memory_space<hbm>>
    tpu.wait_dma2 semaphore(%arg9 : memref<!tpu.dma_semaphore, #tpu.memory_space<semaphore_mem>>) src(%dma_wait3A_170 : memref<16x2048xf32, #tpu.memory_space<hbm>>) dst(%dma_wait3A_168 : memref<16x2048xf32, #tpu.memory_space<vmem_shared>>)
    %add3A_171 = arith.constant 80 : i32
    %add3A_172 = arith.addi %mul3A_2, %add3A_171 : i32
    %dma_start3A_173 = arith.constant 0 : i32
    %dma_start3A_174 = tpu.memref_slice %arg3[%add3A_172, %dma_start3A_173] : memref<8192x2048xf32, #tpu.memory_space<hbm>> -> memref<16x2048xf32, #tpu.memory_space<hbm>>
    %dma_start3A_175 = arith.constant 0 : i32
    %dma_start3A_176 = arith.constant 0 : i32
    %dma_start3A_177 = tpu.memref_slice %arg6[%arg1, %dma_start3A_175, %dma_start3A_176] : memref<16x16x2048xf32, #tpu.memory_space<vmem_shared>> -> memref<1x16x2048xf32, #tpu.memory_space<vmem_shared>>
    %dma_start3A_178 = tpu.memref_squeeze %dma_start3A_177 : memref<1x16x2048xf32, #tpu.memory_space<vmem_shared>> -> memref<16x2048xf32, #tpu.memory_space<vmem_shared>>
    tpu.enqueue_dma source(%dma_start3A_178 : memref<16x2048xf32, #tpu.memory_space<vmem_shared>>) target(%dma_start3A_174 : memref<16x2048xf32, #tpu.memory_space<hbm>>) target_semaphore(%arg12 : memref<!tpu.dma_semaphore, #tpu.memory_space<semaphore_mem>>)
    %dma_wait3A_179 = arith.constant 0 : i32
    %dma_wait3A_180 = tpu.memref_slice %arg3[%add3A_172, %dma_wait3A_179] : memref<8192x2048xf32, #tpu.memory_space<hbm>> -> memref<16x2048xf32, #tpu.memory_space<hbm>>
    %dma_wait3A_181 = arith.constant 0 : i32
    %dma_wait3A_182 = arith.constant 0 : i32
    %dma_wait3A_183 = tpu.memref_slice %arg6[%arg1, %dma_wait3A_181, %dma_wait3A_182] : memref<16x16x2048xf32, #tpu.memory_space<vmem_shared>> -> memref<1x16x2048xf32, #tpu.memory_space<vmem_shared>>
    %dma_wait3A_184 = tpu.memref_squeeze %dma_wait3A_183 : memref<1x16x2048xf32, #tpu.memory_space<vmem_shared>> -> memref<16x2048xf32, #tpu.memory_space<vmem_shared>>
    tpu.wait_dma2 semaphore(%arg12 : memref<!tpu.dma_semaphore, #tpu.memory_space<semaphore_mem>>) src(%dma_wait3A_184 : memref<16x2048xf32, #tpu.memory_space<vmem_shared>>) dst(%dma_wait3A_180 : memref<16x2048xf32, #tpu.memory_space<hbm>>)
    %add3A_185 = arith.constant 128 : i32
    %add3A_186 = arith.addi %mul3A_2, %add3A_185 : i32
    %dma_start3A_187 = arith.constant 0 : i32
    %dma_start3A_188 = arith.constant 0 : i32
    %dma_start3A_189 = tpu.memref_slice %arg6[%arg1, %dma_start3A_187, %dma_start3A_188] : memref<16x16x2048xf32, #tpu.memory_space<vmem_shared>> -> memref<1x16x2048xf32, #tpu.memory_space<vmem_shared>>
    %dma_start3A_190 = tpu.memref_squeeze %dma_start3A_189 : memref<1x16x2048xf32, #tpu.memory_space<vmem_shared>> -> memref<16x2048xf32, #tpu.memory_space<vmem_shared>>
    %dma_start3A_191 = arith.constant 0 : i32
    %dma_start3A_192 = tpu.memref_slice %arg2[%add3A_186, %dma_start3A_191] : memref<8192x2048xf32, #tpu.memory_space<hbm>> -> memref<16x2048xf32, #tpu.memory_space<hbm>>
    tpu.enqueue_dma source(%dma_start3A_192 : memref<16x2048xf32, #tpu.memory_space<hbm>>) target(%dma_start3A_190 : memref<16x2048xf32, #tpu.memory_space<vmem_shared>>) target_semaphore(%arg9 : memref<!tpu.dma_semaphore, #tpu.memory_space<semaphore_mem>>)
    %dma_wait3A_193 = arith.constant 0 : i32
    %dma_wait3A_194 = arith.constant 0 : i32
    %dma_wait3A_195 = tpu.memref_slice %arg4[%arg1, %dma_wait3A_193, %dma_wait3A_194] : memref<16x16x2048xf32, #tpu.memory_space<vmem_shared>> -> memref<1x16x2048xf32, #tpu.memory_space<vmem_shared>>
    %dma_wait3A_196 = tpu.memref_squeeze %dma_wait3A_195 : memref<1x16x2048xf32, #tpu.memory_space<vmem_shared>> -> memref<16x2048xf32, #tpu.memory_space<vmem_shared>>
    %dma_wait3A_197 = arith.constant 0 : i32
    %dma_wait3A_198 = tpu.memref_slice %arg2[%add3A_130, %dma_wait3A_197] : memref<8192x2048xf32, #tpu.memory_space<hbm>> -> memref<16x2048xf32, #tpu.memory_space<hbm>>
    tpu.wait_dma2 semaphore(%arg7 : memref<!tpu.dma_semaphore, #tpu.memory_space<semaphore_mem>>) src(%dma_wait3A_198 : memref<16x2048xf32, #tpu.memory_space<hbm>>) dst(%dma_wait3A_196 : memref<16x2048xf32, #tpu.memory_space<vmem_shared>>)
    %add3A_199 = arith.constant 96 : i32
    %add3A_200 = arith.addi %mul3A_2, %add3A_199 : i32
    %dma_start3A_201 = arith.constant 0 : i32
    %dma_start3A_202 = tpu.memref_slice %arg3[%add3A_200, %dma_start3A_201] : memref<8192x2048xf32, #tpu.memory_space<hbm>> -> memref<16x2048xf32, #tpu.memory_space<hbm>>
    %dma_start3A_203 = arith.constant 0 : i32
    %dma_start3A_204 = arith.constant 0 : i32
    %dma_start3A_205 = tpu.memref_slice %arg4[%arg1, %dma_start3A_203, %dma_start3A_204] : memref<16x16x2048xf32, #tpu.memory_space<vmem_shared>> -> memref<1x16x2048xf32, #tpu.memory_space<vmem_shared>>
    %dma_start3A_206 = tpu.memref_squeeze %dma_start3A_205 : memref<1x16x2048xf32, #tpu.memory_space<vmem_shared>> -> memref<16x2048xf32, #tpu.memory_space<vmem_shared>>
    tpu.enqueue_dma source(%dma_start3A_206 : memref<16x2048xf32, #tpu.memory_space<vmem_shared>>) target(%dma_start3A_202 : memref<16x2048xf32, #tpu.memory_space<hbm>>) target_semaphore(%arg10 : memref<!tpu.dma_semaphore, #tpu.memory_space<semaphore_mem>>)
    %dma_wait3A_207 = arith.constant 0 : i32
    %dma_wait3A_208 = tpu.memref_slice %arg3[%add3A_200, %dma_wait3A_207] : memref<8192x2048xf32, #tpu.memory_space<hbm>> -> memref<16x2048xf32, #tpu.memory_space<hbm>>
    %dma_wait3A_209 = arith.constant 0 : i32
    %dma_wait3A_210 = arith.constant 0 : i32
    %dma_wait3A_211 = tpu.memref_slice %arg4[%arg1, %dma_wait3A_209, %dma_wait3A_210] : memref<16x16x2048xf32, #tpu.memory_space<vmem_shared>> -> memref<1x16x2048xf32, #tpu.memory_space<vmem_shared>>
    %dma_wait3A_212 = tpu.memref_squeeze %dma_wait3A_211 : memref<1x16x2048xf32, #tpu.memory_space<vmem_shared>> -> memref<16x2048xf32, #tpu.memory_space<vmem_shared>>
    tpu.wait_dma2 semaphore(%arg10 : memref<!tpu.dma_semaphore, #tpu.memory_space<semaphore_mem>>) src(%dma_wait3A_212 : memref<16x2048xf32, #tpu.memory_space<vmem_shared>>) dst(%dma_wait3A_208 : memref<16x2048xf32, #tpu.memory_space<hbm>>)
    %add3A_213 = arith.constant 144 : i32
    %add3A_214 = arith.addi %mul3A_2, %add3A_213 : i32
    %dma_start3A_215 = arith.constant 0 : i32
    %dma_start3A_216 = arith.constant 0 : i32
    %dma_start3A_217 = tpu.memref_slice %arg4[%arg1, %dma_start3A_215, %dma_start3A_216] : memref<16x16x2048xf32, #tpu.memory_space<vmem_shared>> -> memref<1x16x2048xf32, #tpu.memory_space<vmem_shared>>
    %dma_start3A_218 = tpu.memref_squeeze %dma_start3A_217 : memref<1x16x2048xf32, #tpu.memory_space<vmem_shared>> -> memref<16x2048xf32, #tpu.memory_space<vmem_shared>>
    %dma_start3A_219 = arith.constant 0 : i32
    %dma_start3A_220 = tpu.memref_slice %arg2[%add3A_214, %dma_start3A_219] : memref<8192x2048xf32, #tpu.memory_space<hbm>> -> memref<16x2048xf32, #tpu.memory_space<hbm>>
    tpu.enqueue_dma source(%dma_start3A_220 : memref<16x2048xf32, #tpu.memory_space<hbm>>) target(%dma_start3A_218 : memref<16x2048xf32, #tpu.memory_space<vmem_shared>>) target_semaphore(%arg7 : memref<!tpu.dma_semaphore, #tpu.memory_space<semaphore_mem>>)
    %dma_wait3A_221 = arith.constant 0 : i32
    %dma_wait3A_222 = arith.constant 0 : i32
    %dma_wait3A_223 = tpu.memref_slice %arg5[%arg1, %dma_wait3A_221, %dma_wait3A_222] : memref<16x16x2048xf32, #tpu.memory_space<vmem_shared>> -> memref<1x16x2048xf32, #tpu.memory_space<vmem_shared>>
    %dma_wait3A_224 = tpu.memref_squeeze %dma_wait3A_223 : memref<1x16x2048xf32, #tpu.memory_space<vmem_shared>> -> memref<16x2048xf32, #tpu.memory_space<vmem_shared>>
    %dma_wait3A_225 = arith.constant 0 : i32
    %dma_wait3A_226 = tpu.memref_slice %arg2[%add3A_158, %dma_wait3A_225] : memref<8192x2048xf32, #tpu.memory_space<hbm>> -> memref<16x2048xf32, #tpu.memory_space<hbm>>
    tpu.wait_dma2 semaphore(%arg8 : memref<!tpu.dma_semaphore, #tpu.memory_space<semaphore_mem>>) src(%dma_wait3A_226 : memref<16x2048xf32, #tpu.memory_space<hbm>>) dst(%dma_wait3A_224 : memref<16x2048xf32, #tpu.memory_space<vmem_shared>>)
    %add3A_227 = arith.constant 112 : i32
    %add3A_228 = arith.addi %mul3A_2, %add3A_227 : i32
    %dma_start3A_229 = arith.constant 0 : i32
    %dma_start3A_230 = tpu.memref_slice %arg3[%add3A_228, %dma_start3A_229] : memref<8192x2048xf32, #tpu.memory_space<hbm>> -> memref<16x2048xf32, #tpu.memory_space<hbm>>
    %dma_start3A_231 = arith.constant 0 : i32
    %dma_start3A_232 = arith.constant 0 : i32
    %dma_start3A_233 = tpu.memref_slice %arg5[%arg1, %dma_start3A_231, %dma_start3A_232] : memref<16x16x2048xf32, #tpu.memory_space<vmem_shared>> -> memref<1x16x2048xf32, #tpu.memory_space<vmem_shared>>
    %dma_start3A_234 = tpu.memref_squeeze %dma_start3A_233 : memref<1x16x2048xf32, #tpu.memory_space<vmem_shared>> -> memref<16x2048xf32, #tpu.memory_space<vmem_shared>>
    tpu.enqueue_dma source(%dma_start3A_234 : memref<16x2048xf32, #tpu.memory_space<vmem_shared>>) target(%dma_start3A_230 : memref<16x2048xf32, #tpu.memory_space<hbm>>) target_semaphore(%arg11 : memref<!tpu.dma_semaphore, #tpu.memory_space<semaphore_mem>>)
    %dma_wait3A_235 = arith.constant 0 : i32
    %dma_wait3A_236 = tpu.memref_slice %arg3[%add3A_228, %dma_wait3A_235] : memref<8192x2048xf32, #tpu.memory_space<hbm>> -> memref<16x2048xf32, #tpu.memory_space<hbm>>
    %dma_wait3A_237 = arith.constant 0 : i32
    %dma_wait3A_238 = arith.constant 0 : i32
    %dma_wait3A_239 = tpu.memref_slice %arg5[%arg1, %dma_wait3A_237, %dma_wait3A_238] : memref<16x16x2048xf32, #tpu.memory_space<vmem_shared>> -> memref<1x16x2048xf32, #tpu.memory_space<vmem_shared>>
    %dma_wait3A_240 = tpu.memref_squeeze %dma_wait3A_239 : memref<1x16x2048xf32, #tpu.memory_space<vmem_shared>> -> memref<16x2048xf32, #tpu.memory_space<vmem_shared>>
    tpu.wait_dma2 semaphore(%arg11 : memref<!tpu.dma_semaphore, #tpu.memory_space<semaphore_mem>>) src(%dma_wait3A_240 : memref<16x2048xf32, #tpu.memory_space<vmem_shared>>) dst(%dma_wait3A_236 : memref<16x2048xf32, #tpu.memory_space<hbm>>)
    %add3A_241 = arith.constant 160 : i32
    %add3A_242 = arith.addi %mul3A_2, %add3A_241 : i32
    %dma_start3A_243 = arith.constant 0 : i32
    %dma_start3A_244 = arith.constant 0 : i32
    %dma_start3A_245 = tpu.memref_slice %arg5[%arg1, %dma_start3A_243, %dma_start3A_244] : memref<16x16x2048xf32, #tpu.memory_space<vmem_shared>> -> memref<1x16x2048xf32, #tpu.memory_space<vmem_shared>>
    %dma_start3A_246 = tpu.memref_squeeze %dma_start3A_245 : memref<1x16x2048xf32, #tpu.memory_space<vmem_shared>> -> memref<16x2048xf32, #tpu.memory_space<vmem_shared>>
    %dma_start3A_247 = arith.constant 0 : i32
    %dma_start3A_248 = tpu.memref_slice %arg2[%add3A_242, %dma_start3A_247] : memref<8192x2048xf32, #tpu.memory_space<hbm>> -> memref<16x2048xf32, #tpu.memory_space<hbm>>
    tpu.enqueue_dma source(%dma_start3A_248 : memref<16x2048xf32, #tpu.memory_space<hbm>>) target(%dma_start3A_246 : memref<16x2048xf32, #tpu.memory_space<vmem_shared>>) target_semaphore(%arg8 : memref<!tpu.dma_semaphore, #tpu.memory_space<semaphore_mem>>)
    %dma_wait3A_249 = arith.constant 0 : i32
    %dma_wait3A_250 = arith.constant 0 : i32
    %dma_wait3A_251 = tpu.memref_slice %arg6[%arg1, %dma_wait3A_249, %dma_wait3A_250] : memref<16x16x2048xf32, #tpu.memory_space<vmem_shared>> -> memref<1x16x2048xf32, #tpu.memory_space<vmem_shared>>
    %dma_wait3A_252 = tpu.memref_squeeze %dma_wait3A_251 : memref<1x16x2048xf32, #tpu.memory_space<vmem_shared>> -> memref<16x2048xf32, #tpu.memory_space<vmem_shared>>
    %dma_wait3A_253 = arith.constant 0 : i32
    %dma_wait3A_254 = tpu.memref_slice %arg2[%add3A_186, %dma_wait3A_253] : memref<8192x2048xf32, #tpu.memory_space<hbm>> -> memref<16x2048xf32, #tpu.memory_space<hbm>>
    tpu.wait_dma2 semaphore(%arg9 : memref<!tpu.dma_semaphore, #tpu.memory_space<semaphore_mem>>) src(%dma_wait3A_254 : memref<16x2048xf32, #tpu.memory_space<hbm>>) dst(%dma_wait3A_252 : memref<16x2048xf32, #tpu.memory_space<vmem_shared>>)
    %add3A_255 = arith.constant 128 : i32
    %add3A_256 = arith.addi %mul3A_2, %add3A_255 : i32
    %dma_start3A_257 = arith.constant 0 : i32
    %dma_start3A_258 = tpu.memref_slice %arg3[%add3A_256, %dma_start3A_257] : memref<8192x2048xf32, #tpu.memory_space<hbm>> -> memref<16x2048xf32, #tpu.memory_space<hbm>>
    %dma_start3A_259 = arith.constant 0 : i32
    %dma_start3A_260 = arith.constant 0 : i32
    %dma_start3A_261 = tpu.memref_slice %arg6[%arg1, %dma_start3A_259, %dma_start3A_260] : memref<16x16x2048xf32, #tpu.memory_space<vmem_shared>> -> memref<1x16x2048xf32, #tpu.memory_space<vmem_shared>>
    %dma_start3A_262 = tpu.memref_squeeze %dma_start3A_261 : memref<1x16x2048xf32, #tpu.memory_space<vmem_shared>> -> memref<16x2048xf32, #tpu.memory_space<vmem_shared>>
    tpu.enqueue_dma source(%dma_start3A_262 : memref<16x2048xf32, #tpu.memory_space<vmem_shared>>) target(%dma_start3A_258 : memref<16x2048xf32, #tpu.memory_space<hbm>>) target_semaphore(%arg12 : memref<!tpu.dma_semaphore, #tpu.memory_space<semaphore_mem>>)
    %dma_wait3A_263 = arith.constant 0 : i32
    %dma_wait3A_264 = tpu.memref_slice %arg3[%add3A_256, %dma_wait3A_263] : memref<8192x2048xf32, #tpu.memory_space<hbm>> -> memref<16x2048xf32, #tpu.memory_space<hbm>>
    %dma_wait3A_265 = arith.constant 0 : i32
    %dma_wait3A_266 = arith.constant 0 : i32
    %dma_wait3A_267 = tpu.memref_slice %arg6[%arg1, %dma_wait3A_265, %dma_wait3A_266] : memref<16x16x2048xf32, #tpu.memory_space<vmem_shared>> -> memref<1x16x2048xf32, #tpu.memory_space<vmem_shared>>
    %dma_wait3A_268 = tpu.memref_squeeze %dma_wait3A_267 : memref<1x16x2048xf32, #tpu.memory_space<vmem_shared>> -> memref<16x2048xf32, #tpu.memory_space<vmem_shared>>
    tpu.wait_dma2 semaphore(%arg12 : memref<!tpu.dma_semaphore, #tpu.memory_space<semaphore_mem>>) src(%dma_wait3A_268 : memref<16x2048xf32, #tpu.memory_space<vmem_shared>>) dst(%dma_wait3A_264 : memref<16x2048xf32, #tpu.memory_space<hbm>>)
    %add3A_269 = arith.constant 176 : i32
    %add3A_270 = arith.addi %mul3A_2, %add3A_269 : i32
    %dma_start3A_271 = arith.constant 0 : i32
    %dma_start3A_272 = arith.constant 0 : i32
    %dma_start3A_273 = tpu.memref_slice %arg6[%arg1, %dma_start3A_271, %dma_start3A_272] : memref<16x16x2048xf32, #tpu.memory_space<vmem_shared>> -> memref<1x16x2048xf32, #tpu.memory_space<vmem_shared>>
    %dma_start3A_274 = tpu.memref_squeeze %dma_start3A_273 : memref<1x16x2048xf32, #tpu.memory_space<vmem_shared>> -> memref<16x2048xf32, #tpu.memory_space<vmem_shared>>
    %dma_start3A_275 = arith.constant 0 : i32
    %dma_start3A_276 = tpu.memref_slice %arg2[%add3A_270, %dma_start3A_275] : memref<8192x2048xf32, #tpu.memory_space<hbm>> -> memref<16x2048xf32, #tpu.memory_space<hbm>>
    tpu.enqueue_dma source(%dma_start3A_276 : memref<16x2048xf32, #tpu.memory_space<hbm>>) target(%dma_start3A_274 : memref<16x2048xf32, #tpu.memory_space<vmem_shared>>) target_semaphore(%arg9 : memref<!tpu.dma_semaphore, #tpu.memory_space<semaphore_mem>>)
    %dma_wait3A_277 = arith.constant 0 : i32
    %dma_wait3A_278 = arith.constant 0 : i32
    %dma_wait3A_279 = tpu.memref_slice %arg4[%arg1, %dma_wait3A_277, %dma_wait3A_278] : memref<16x16x2048xf32, #tpu.memory_space<vmem_shared>> -> memref<1x16x2048xf32, #tpu.memory_space<vmem_shared>>
    %dma_wait3A_280 = tpu.memref_squeeze %dma_wait3A_279 : memref<1x16x2048xf32, #tpu.memory_space<vmem_shared>> -> memref<16x2048xf32, #tpu.memory_space<vmem_shared>>
    %dma_wait3A_281 = arith.constant 0 : i32
    %dma_wait3A_282 = tpu.memref_slice %arg2[%add3A_214, %dma_wait3A_281] : memref<8192x2048xf32, #tpu.memory_space<hbm>> -> memref<16x2048xf32, #tpu.memory_space<hbm>>
    tpu.wait_dma2 semaphore(%arg7 : memref<!tpu.dma_semaphore, #tpu.memory_space<semaphore_mem>>) src(%dma_wait3A_282 : memref<16x2048xf32, #tpu.memory_space<hbm>>) dst(%dma_wait3A_280 : memref<16x2048xf32, #tpu.memory_space<vmem_shared>>)
    %add3A_283 = arith.constant 144 : i32
    %add3A_284 = arith.addi %mul3A_2, %add3A_283 : i32
    %dma_start3A_285 = arith.constant 0 : i32
    %dma_start3A_286 = tpu.memref_slice %arg3[%add3A_284, %dma_start3A_285] : memref<8192x2048xf32, #tpu.memory_space<hbm>> -> memref<16x2048xf32, #tpu.memory_space<hbm>>
    %dma_start3A_287 = arith.constant 0 : i32
    %dma_start3A_288 = arith.constant 0 : i32
    %dma_start3A_289 = tpu.memref_slice %arg4[%arg1, %dma_start3A_287, %dma_start3A_288] : memref<16x16x2048xf32, #tpu.memory_space<vmem_shared>> -> memref<1x16x2048xf32, #tpu.memory_space<vmem_shared>>
    %dma_start3A_290 = tpu.memref_squeeze %dma_start3A_289 : memref<1x16x2048xf32, #tpu.memory_space<vmem_shared>> -> memref<16x2048xf32, #tpu.memory_space<vmem_shared>>
    tpu.enqueue_dma source(%dma_start3A_290 : memref<16x2048xf32, #tpu.memory_space<vmem_shared>>) target(%dma_start3A_286 : memref<16x2048xf32, #tpu.memory_space<hbm>>) target_semaphore(%arg10 : memref<!tpu.dma_semaphore, #tpu.memory_space<semaphore_mem>>)
    %dma_wait3A_291 = arith.constant 0 : i32
    %dma_wait3A_292 = tpu.memref_slice %arg3[%add3A_284, %dma_wait3A_291] : memref<8192x2048xf32, #tpu.memory_space<hbm>> -> memref<16x2048xf32, #tpu.memory_space<hbm>>
    %dma_wait3A_293 = arith.constant 0 : i32
    %dma_wait3A_294 = arith.constant 0 : i32
    %dma_wait3A_295 = tpu.memref_slice %arg4[%arg1, %dma_wait3A_293, %dma_wait3A_294] : memref<16x16x2048xf32, #tpu.memory_space<vmem_shared>> -> memref<1x16x2048xf32, #tpu.memory_space<vmem_shared>>
    %dma_wait3A_296 = tpu.memref_squeeze %dma_wait3A_295 : memref<1x16x2048xf32, #tpu.memory_space<vmem_shared>> -> memref<16x2048xf32, #tpu.memory_space<vmem_shared>>
    tpu.wait_dma2 semaphore(%arg10 : memref<!tpu.dma_semaphore, #tpu.memory_space<semaphore_mem>>) src(%dma_wait3A_296 : memref<16x2048xf32, #tpu.memory_space<vmem_shared>>) dst(%dma_wait3A_292 : memref<16x2048xf32, #tpu.memory_space<hbm>>)
    %add3A_297 = arith.constant 192 : i32
    %add3A_298 = arith.addi %mul3A_2, %add3A_297 : i32
    %dma_start3A_299 = arith.constant 0 : i32
    %dma_start3A_300 = arith.constant 0 : i32
    %dma_start3A_301 = tpu.memref_slice %arg4[%arg1, %dma_start3A_299, %dma_start3A_300] : memref<16x16x2048xf32, #tpu.memory_space<vmem_shared>> -> memref<1x16x2048xf32, #tpu.memory_space<vmem_shared>>
    %dma_start3A_302 = tpu.memref_squeeze %dma_start3A_301 : memref<1x16x2048xf32, #tpu.memory_space<vmem_shared>> -> memref<16x2048xf32, #tpu.memory_space<vmem_shared>>
    %dma_start3A_303 = arith.constant 0 : i32
    %dma_start3A_304 = tpu.memref_slice %arg2[%add3A_298, %dma_start3A_303] : memref<8192x2048xf32, #tpu.memory_space<hbm>> -> memref<16x2048xf32, #tpu.memory_space<hbm>>
    tpu.enqueue_dma source(%dma_start3A_304 : memref<16x2048xf32, #tpu.memory_space<hbm>>) target(%dma_start3A_302 : memref<16x2048xf32, #tpu.memory_space<vmem_shared>>) target_semaphore(%arg7 : memref<!tpu.dma_semaphore, #tpu.memory_space<semaphore_mem>>)
    %dma_wait3A_305 = arith.constant 0 : i32
    %dma_wait3A_306 = arith.constant 0 : i32
    %dma_wait3A_307 = tpu.memref_slice %arg5[%arg1, %dma_wait3A_305, %dma_wait3A_306] : memref<16x16x2048xf32, #tpu.memory_space<vmem_shared>> -> memref<1x16x2048xf32, #tpu.memory_space<vmem_shared>>
    %dma_wait3A_308 = tpu.memref_squeeze %dma_wait3A_307 : memref<1x16x2048xf32, #tpu.memory_space<vmem_shared>> -> memref<16x2048xf32, #tpu.memory_space<vmem_shared>>
    %dma_wait3A_309 = arith.constant 0 : i32
    %dma_wait3A_310 = tpu.memref_slice %arg2[%add3A_242, %dma_wait3A_309] : memref<8192x2048xf32, #tpu.memory_space<hbm>> -> memref<16x2048xf32, #tpu.memory_space<hbm>>
    tpu.wait_dma2 semaphore(%arg8 : memref<!tpu.dma_semaphore, #tpu.memory_space<semaphore_mem>>) src(%dma_wait3A_310 : memref<16x2048xf32, #tpu.memory_space<hbm>>) dst(%dma_wait3A_308 : memref<16x2048xf32, #tpu.memory_space<vmem_shared>>)
    %add3A_311 = arith.constant 160 : i32
    %add3A_312 = arith.addi %mul3A_2, %add3A_311 : i32
    %dma_start3A_313 = arith.constant 0 : i32
    %dma_start3A_314 = tpu.memref_slice %arg3[%add3A_312, %dma_start3A_313] : memref<8192x2048xf32, #tpu.memory_space<hbm>> -> memref<16x2048xf32, #tpu.memory_space<hbm>>
    %dma_start3A_315 = arith.constant 0 : i32
    %dma_start3A_316 = arith.constant 0 : i32
    %dma_start3A_317 = tpu.memref_slice %arg5[%arg1, %dma_start3A_315, %dma_start3A_316] : memref<16x16x2048xf32, #tpu.memory_space<vmem_shared>> -> memref<1x16x2048xf32, #tpu.memory_space<vmem_shared>>
    %dma_start3A_318 = tpu.memref_squeeze %dma_start3A_317 : memref<1x16x2048xf32, #tpu.memory_space<vmem_shared>> -> memref<16x2048xf32, #tpu.memory_space<vmem_shared>>
    tpu.enqueue_dma source(%dma_start3A_318 : memref<16x2048xf32, #tpu.memory_space<vmem_shared>>) target(%dma_start3A_314 : memref<16x2048xf32, #tpu.memory_space<hbm>>) target_semaphore(%arg11 : memref<!tpu.dma_semaphore, #tpu.memory_space<semaphore_mem>>)
    %dma_wait3A_319 = arith.constant 0 : i32
    %dma_wait3A_320 = tpu.memref_slice %arg3[%add3A_312, %dma_wait3A_319] : memref<8192x2048xf32, #tpu.memory_space<hbm>> -> memref<16x2048xf32, #tpu.memory_space<hbm>>
    %dma_wait3A_321 = arith.constant 0 : i32
    %dma_wait3A_322 = arith.constant 0 : i32
    %dma_wait3A_323 = tpu.memref_slice %arg5[%arg1, %dma_wait3A_321, %dma_wait3A_322] : memref<16x16x2048xf32, #tpu.memory_space<vmem_shared>> -> memref<1x16x2048xf32, #tpu.memory_space<vmem_shared>>
    %dma_wait3A_324 = tpu.memref_squeeze %dma_wait3A_323 : memref<1x16x2048xf32, #tpu.memory_space<vmem_shared>> -> memref<16x2048xf32, #tpu.memory_space<vmem_shared>>
    tpu.wait_dma2 semaphore(%arg11 : memref<!tpu.dma_semaphore, #tpu.memory_space<semaphore_mem>>) src(%dma_wait3A_324 : memref<16x2048xf32, #tpu.memory_space<vmem_shared>>) dst(%dma_wait3A_320 : memref<16x2048xf32, #tpu.memory_space<hbm>>)
    %add3A_325 = arith.constant 208 : i32
    %add3A_326 = arith.addi %mul3A_2, %add3A_325 : i32
    %dma_start3A_327 = arith.constant 0 : i32
    %dma_start3A_328 = arith.constant 0 : i32
    %dma_start3A_329 = tpu.memref_slice %arg5[%arg1, %dma_start3A_327, %dma_start3A_328] : memref<16x16x2048xf32, #tpu.memory_space<vmem_shared>> -> memref<1x16x2048xf32, #tpu.memory_space<vmem_shared>>
    %dma_start3A_330 = tpu.memref_squeeze %dma_start3A_329 : memref<1x16x2048xf32, #tpu.memory_space<vmem_shared>> -> memref<16x2048xf32, #tpu.memory_space<vmem_shared>>
    %dma_start3A_331 = arith.constant 0 : i32
    %dma_start3A_332 = tpu.memref_slice %arg2[%add3A_326, %dma_start3A_331] : memref<8192x2048xf32, #tpu.memory_space<hbm>> -> memref<16x2048xf32, #tpu.memory_space<hbm>>
    tpu.enqueue_dma source(%dma_start3A_332 : memref<16x2048xf32, #tpu.memory_space<hbm>>) target(%dma_start3A_330 : memref<16x2048xf32, #tpu.memory_space<vmem_shared>>) target_semaphore(%arg8 : memref<!tpu.dma_semaphore, #tpu.memory_space<semaphore_mem>>)
    %dma_wait3A_333 = arith.constant 0 : i32
    %dma_wait3A_334 = arith.constant 0 : i32
    %dma_wait3A_335 = tpu.memref_slice %arg6[%arg1, %dma_wait3A_333, %dma_wait3A_334] : memref<16x16x2048xf32, #tpu.memory_space<vmem_shared>> -> memref<1x16x2048xf32, #tpu.memory_space<vmem_shared>>
    %dma_wait3A_336 = tpu.memref_squeeze %dma_wait3A_335 : memref<1x16x2048xf32, #tpu.memory_space<vmem_shared>> -> memref<16x2048xf32, #tpu.memory_space<vmem_shared>>
    %dma_wait3A_337 = arith.constant 0 : i32
    %dma_wait3A_338 = tpu.memref_slice %arg2[%add3A_270, %dma_wait3A_337] : memref<8192x2048xf32, #tpu.memory_space<hbm>> -> memref<16x2048xf32, #tpu.memory_space<hbm>>
    tpu.wait_dma2 semaphore(%arg9 : memref<!tpu.dma_semaphore, #tpu.memory_space<semaphore_mem>>) src(%dma_wait3A_338 : memref<16x2048xf32, #tpu.memory_space<hbm>>) dst(%dma_wait3A_336 : memref<16x2048xf32, #tpu.memory_space<vmem_shared>>)
    %add3A_339 = arith.constant 176 : i32
    %add3A_340 = arith.addi %mul3A_2, %add3A_339 : i32
    %dma_start3A_341 = arith.constant 0 : i32
    %dma_start3A_342 = tpu.memref_slice %arg3[%add3A_340, %dma_start3A_341] : memref<8192x2048xf32, #tpu.memory_space<hbm>> -> memref<16x2048xf32, #tpu.memory_space<hbm>>
    %dma_start3A_343 = arith.constant 0 : i32
    %dma_start3A_344 = arith.constant 0 : i32
    %dma_start3A_345 = tpu.memref_slice %arg6[%arg1, %dma_start3A_343, %dma_start3A_344] : memref<16x16x2048xf32, #tpu.memory_space<vmem_shared>> -> memref<1x16x2048xf32, #tpu.memory_space<vmem_shared>>
    %dma_start3A_346 = tpu.memref_squeeze %dma_start3A_345 : memref<1x16x2048xf32, #tpu.memory_space<vmem_shared>> -> memref<16x2048xf32, #tpu.memory_space<vmem_shared>>
    tpu.enqueue_dma source(%dma_start3A_346 : memref<16x2048xf32, #tpu.memory_space<vmem_shared>>) target(%dma_start3A_342 : memref<16x2048xf32, #tpu.memory_space<hbm>>) target_semaphore(%arg12 : memref<!tpu.dma_semaphore, #tpu.memory_space<semaphore_mem>>)
    %dma_wait3A_347 = arith.constant 0 : i32
    %dma_wait3A_348 = tpu.memref_slice %arg3[%add3A_340, %dma_wait3A_347] : memref<8192x2048xf32, #tpu.memory_space<hbm>> -> memref<16x2048xf32, #tpu.memory_space<hbm>>
    %dma_wait3A_349 = arith.constant 0 : i32
    %dma_wait3A_350 = arith.constant 0 : i32
    %dma_wait3A_351 = tpu.memref_slice %arg6[%arg1, %dma_wait3A_349, %dma_wait3A_350] : memref<16x16x2048xf32, #tpu.memory_space<vmem_shared>> -> memref<1x16x2048xf32, #tpu.memory_space<vmem_shared>>
    %dma_wait3A_352 = tpu.memref_squeeze %dma_wait3A_351 : memref<1x16x2048xf32, #tpu.memory_space<vmem_shared>> -> memref<16x2048xf32, #tpu.memory_space<vmem_shared>>
    tpu.wait_dma2 semaphore(%arg12 : memref<!tpu.dma_semaphore, #tpu.memory_space<semaphore_mem>>) src(%dma_wait3A_352 : memref<16x2048xf32, #tpu.memory_space<vmem_shared>>) dst(%dma_wait3A_348 : memref<16x2048xf32, #tpu.memory_space<hbm>>)
    %add3A_353 = arith.constant 224 : i32
    %add3A_354 = arith.addi %mul3A_2, %add3A_353 : i32
    %dma_start3A_355 = arith.constant 0 : i32
    %dma_start3A_356 = arith.constant 0 : i32
    %dma_start3A_357 = tpu.memref_slice %arg6[%arg1, %dma_start3A_355, %dma_start3A_356] : memref<16x16x2048xf32, #tpu.memory_space<vmem_shared>> -> memref<1x16x2048xf32, #tpu.memory_space<vmem_shared>>
    %dma_start3A_358 = tpu.memref_squeeze %dma_start3A_357 : memref<1x16x2048xf32, #tpu.memory_space<vmem_shared>> -> memref<16x2048xf32, #tpu.memory_space<vmem_shared>>
    %dma_start3A_359 = arith.constant 0 : i32
    %dma_start3A_360 = tpu.memref_slice %arg2[%add3A_354, %dma_start3A_359] : memref<8192x2048xf32, #tpu.memory_space<hbm>> -> memref<16x2048xf32, #tpu.memory_space<hbm>>
    tpu.enqueue_dma source(%dma_start3A_360 : memref<16x2048xf32, #tpu.memory_space<hbm>>) target(%dma_start3A_358 : memref<16x2048xf32, #tpu.memory_space<vmem_shared>>) target_semaphore(%arg9 : memref<!tpu.dma_semaphore, #tpu.memory_space<semaphore_mem>>)
    %dma_wait3A_361 = arith.constant 0 : i32
    %dma_wait3A_362 = arith.constant 0 : i32
    %dma_wait3A_363 = tpu.memref_slice %arg4[%arg1, %dma_wait3A_361, %dma_wait3A_362] : memref<16x16x2048xf32, #tpu.memory_space<vmem_shared>> -> memref<1x16x2048xf32, #tpu.memory_space<vmem_shared>>
    %dma_wait3A_364 = tpu.memref_squeeze %dma_wait3A_363 : memref<1x16x2048xf32, #tpu.memory_space<vmem_shared>> -> memref<16x2048xf32, #tpu.memory_space<vmem_shared>>
    %dma_wait3A_365 = arith.constant 0 : i32
    %dma_wait3A_366 = tpu.memref_slice %arg2[%add3A_298, %dma_wait3A_365] : memref<8192x2048xf32, #tpu.memory_space<hbm>> -> memref<16x2048xf32, #tpu.memory_space<hbm>>
    tpu.wait_dma2 semaphore(%arg7 : memref<!tpu.dma_semaphore, #tpu.memory_space<semaphore_mem>>) src(%dma_wait3A_366 : memref<16x2048xf32, #tpu.memory_space<hbm>>) dst(%dma_wait3A_364 : memref<16x2048xf32, #tpu.memory_space<vmem_shared>>)
    %add3A_367 = arith.constant 192 : i32
    %add3A_368 = arith.addi %mul3A_2, %add3A_367 : i32
    %dma_start3A_369 = arith.constant 0 : i32
    %dma_start3A_370 = tpu.memref_slice %arg3[%add3A_368, %dma_start3A_369] : memref<8192x2048xf32, #tpu.memory_space<hbm>> -> memref<16x2048xf32, #tpu.memory_space<hbm>>
    %dma_start3A_371 = arith.constant 0 : i32
    %dma_start3A_372 = arith.constant 0 : i32
    %dma_start3A_373 = tpu.memref_slice %arg4[%arg1, %dma_start3A_371, %dma_start3A_372] : memref<16x16x2048xf32, #tpu.memory_space<vmem_shared>> -> memref<1x16x2048xf32, #tpu.memory_space<vmem_shared>>
    %dma_start3A_374 = tpu.memref_squeeze %dma_start3A_373 : memref<1x16x2048xf32, #tpu.memory_space<vmem_shared>> -> memref<16x2048xf32, #tpu.memory_space<vmem_shared>>
    tpu.enqueue_dma source(%dma_start3A_374 : memref<16x2048xf32, #tpu.memory_space<vmem_shared>>) target(%dma_start3A_370 : memref<16x2048xf32, #tpu.memory_space<hbm>>) target_semaphore(%arg10 : memref<!tpu.dma_semaphore, #tpu.memory_space<semaphore_mem>>)
    %dma_wait3A_375 = arith.constant 0 : i32
    %dma_wait3A_376 = tpu.memref_slice %arg3[%add3A_368, %dma_wait3A_375] : memref<8192x2048xf32, #tpu.memory_space<hbm>> -> memref<16x2048xf32, #tpu.memory_space<hbm>>
    %dma_wait3A_377 = arith.constant 0 : i32
    %dma_wait3A_378 = arith.constant 0 : i32
    %dma_wait3A_379 = tpu.memref_slice %arg4[%arg1, %dma_wait3A_377, %dma_wait3A_378] : memref<16x16x2048xf32, #tpu.memory_space<vmem_shared>> -> memref<1x16x2048xf32, #tpu.memory_space<vmem_shared>>
    %dma_wait3A_380 = tpu.memref_squeeze %dma_wait3A_379 : memref<1x16x2048xf32, #tpu.memory_space<vmem_shared>> -> memref<16x2048xf32, #tpu.memory_space<vmem_shared>>
    tpu.wait_dma2 semaphore(%arg10 : memref<!tpu.dma_semaphore, #tpu.memory_space<semaphore_mem>>) src(%dma_wait3A_380 : memref<16x2048xf32, #tpu.memory_space<vmem_shared>>) dst(%dma_wait3A_376 : memref<16x2048xf32, #tpu.memory_space<hbm>>)
    %add3A_381 = arith.constant 240 : i32
    %add3A_382 = arith.addi %mul3A_2, %add3A_381 : i32
    %dma_start3A_383 = arith.constant 0 : i32
    %dma_start3A_384 = arith.constant 0 : i32
    %dma_start3A_385 = tpu.memref_slice %arg4[%arg1, %dma_start3A_383, %dma_start3A_384] : memref<16x16x2048xf32, #tpu.memory_space<vmem_shared>> -> memref<1x16x2048xf32, #tpu.memory_space<vmem_shared>>
    %dma_start3A_386 = tpu.memref_squeeze %dma_start3A_385 : memref<1x16x2048xf32, #tpu.memory_space<vmem_shared>> -> memref<16x2048xf32, #tpu.memory_space<vmem_shared>>
    %dma_start3A_387 = arith.constant 0 : i32
    %dma_start3A_388 = tpu.memref_slice %arg2[%add3A_382, %dma_start3A_387] : memref<8192x2048xf32, #tpu.memory_space<hbm>> -> memref<16x2048xf32, #tpu.memory_space<hbm>>
    tpu.enqueue_dma source(%dma_start3A_388 : memref<16x2048xf32, #tpu.memory_space<hbm>>) target(%dma_start3A_386 : memref<16x2048xf32, #tpu.memory_space<vmem_shared>>) target_semaphore(%arg7 : memref<!tpu.dma_semaphore, #tpu.memory_space<semaphore_mem>>)
    %dma_wait3A_389 = arith.constant 0 : i32
    %dma_wait3A_390 = arith.constant 0 : i32
    %dma_wait3A_391 = tpu.memref_slice %arg5[%arg1, %dma_wait3A_389, %dma_wait3A_390] : memref<16x16x2048xf32, #tpu.memory_space<vmem_shared>> -> memref<1x16x2048xf32, #tpu.memory_space<vmem_shared>>
    %dma_wait3A_392 = tpu.memref_squeeze %dma_wait3A_391 : memref<1x16x2048xf32, #tpu.memory_space<vmem_shared>> -> memref<16x2048xf32, #tpu.memory_space<vmem_shared>>
    %dma_wait3A_393 = arith.constant 0 : i32
    %dma_wait3A_394 = tpu.memref_slice %arg2[%add3A_326, %dma_wait3A_393] : memref<8192x2048xf32, #tpu.memory_space<hbm>> -> memref<16x2048xf32, #tpu.memory_space<hbm>>
    tpu.wait_dma2 semaphore(%arg8 : memref<!tpu.dma_semaphore, #tpu.memory_space<semaphore_mem>>) src(%dma_wait3A_394 : memref<16x2048xf32, #tpu.memory_space<hbm>>) dst(%dma_wait3A_392 : memref<16x2048xf32, #tpu.memory_space<vmem_shared>>)
    %add3A_395 = arith.constant 208 : i32
    %add3A_396 = arith.addi %mul3A_2, %add3A_395 : i32
    %dma_start3A_397 = arith.constant 0 : i32
    %dma_start3A_398 = tpu.memref_slice %arg3[%add3A_396, %dma_start3A_397] : memref<8192x2048xf32, #tpu.memory_space<hbm>> -> memref<16x2048xf32, #tpu.memory_space<hbm>>
    %dma_start3A_399 = arith.constant 0 : i32
    %dma_start3A_400 = arith.constant 0 : i32
    %dma_start3A_401 = tpu.memref_slice %arg5[%arg1, %dma_start3A_399, %dma_start3A_400] : memref<16x16x2048xf32, #tpu.memory_space<vmem_shared>> -> memref<1x16x2048xf32, #tpu.memory_space<vmem_shared>>
    %dma_start3A_402 = tpu.memref_squeeze %dma_start3A_401 : memref<1x16x2048xf32, #tpu.memory_space<vmem_shared>> -> memref<16x2048xf32, #tpu.memory_space<vmem_shared>>
    tpu.enqueue_dma source(%dma_start3A_402 : memref<16x2048xf32, #tpu.memory_space<vmem_shared>>) target(%dma_start3A_398 : memref<16x2048xf32, #tpu.memory_space<hbm>>) target_semaphore(%arg11 : memref<!tpu.dma_semaphore, #tpu.memory_space<semaphore_mem>>)
    %dma_wait3A_403 = arith.constant 0 : i32
    %dma_wait3A_404 = arith.constant 0 : i32
    %dma_wait3A_405 = tpu.memref_slice %arg6[%arg1, %dma_wait3A_403, %dma_wait3A_404] : memref<16x16x2048xf32, #tpu.memory_space<vmem_shared>> -> memref<1x16x2048xf32, #tpu.memory_space<vmem_shared>>
    %dma_wait3A_406 = tpu.memref_squeeze %dma_wait3A_405 : memref<1x16x2048xf32, #tpu.memory_space<vmem_shared>> -> memref<16x2048xf32, #tpu.memory_space<vmem_shared>>
    %dma_wait3A_407 = arith.constant 0 : i32
    %dma_wait3A_408 = tpu.memref_slice %arg2[%add3A_354, %dma_wait3A_407] : memref<8192x2048xf32, #tpu.memory_space<hbm>> -> memref<16x2048xf32, #tpu.memory_space<hbm>>
    tpu.wait_dma2 semaphore(%arg9 : memref<!tpu.dma_semaphore, #tpu.memory_space<semaphore_mem>>) src(%dma_wait3A_408 : memref<16x2048xf32, #tpu.memory_space<hbm>>) dst(%dma_wait3A_406 : memref<16x2048xf32, #tpu.memory_space<vmem_shared>>)
    %add3A_409 = arith.constant 224 : i32
    %add3A_410 = arith.addi %mul3A_2, %add3A_409 : i32
    %dma_start3A_411 = arith.constant 0 : i32
    %dma_start3A_412 = tpu.memref_slice %arg3[%add3A_410, %dma_start3A_411] : memref<8192x2048xf32, #tpu.memory_space<hbm>> -> memref<16x2048xf32, #tpu.memory_space<hbm>>
    %dma_start3A_413 = arith.constant 0 : i32
    %dma_start3A_414 = arith.constant 0 : i32
    %dma_start3A_415 = tpu.memref_slice %arg6[%arg1, %dma_start3A_413, %dma_start3A_414] : memref<16x16x2048xf32, #tpu.memory_space<vmem_shared>> -> memref<1x16x2048xf32, #tpu.memory_space<vmem_shared>>
    %dma_start3A_416 = tpu.memref_squeeze %dma_start3A_415 : memref<1x16x2048xf32, #tpu.memory_space<vmem_shared>> -> memref<16x2048xf32, #tpu.memory_space<vmem_shared>>
    tpu.enqueue_dma source(%dma_start3A_416 : memref<16x2048xf32, #tpu.memory_space<vmem_shared>>) target(%dma_start3A_412 : memref<16x2048xf32, #tpu.memory_space<hbm>>) target_semaphore(%arg12 : memref<!tpu.dma_semaphore, #tpu.memory_space<semaphore_mem>>)
    %dma_wait3A_417 = arith.constant 0 : i32
    %dma_wait3A_418 = arith.constant 0 : i32
    %dma_wait3A_419 = tpu.memref_slice %arg4[%arg1, %dma_wait3A_417, %dma_wait3A_418] : memref<16x16x2048xf32, #tpu.memory_space<vmem_shared>> -> memref<1x16x2048xf32, #tpu.memory_space<vmem_shared>>
    %dma_wait3A_420 = tpu.memref_squeeze %dma_wait3A_419 : memref<1x16x2048xf32, #tpu.memory_space<vmem_shared>> -> memref<16x2048xf32, #tpu.memory_space<vmem_shared>>
    %dma_wait3A_421 = arith.constant 0 : i32
    %dma_wait3A_422 = tpu.memref_slice %arg2[%add3A_382, %dma_wait3A_421] : memref<8192x2048xf32, #tpu.memory_space<hbm>> -> memref<16x2048xf32, #tpu.memory_space<hbm>>
    tpu.wait_dma2 semaphore(%arg7 : memref<!tpu.dma_semaphore, #tpu.memory_space<semaphore_mem>>) src(%dma_wait3A_422 : memref<16x2048xf32, #tpu.memory_space<hbm>>) dst(%dma_wait3A_420 : memref<16x2048xf32, #tpu.memory_space<vmem_shared>>)
    %add3A_423 = arith.constant 240 : i32
    %add3A_424 = arith.addi %mul3A_2, %add3A_423 : i32
    %dma_start3A_425 = arith.constant 0 : i32
    %dma_start3A_426 = tpu.memref_slice %arg3[%add3A_424, %dma_start3A_425] : memref<8192x2048xf32, #tpu.memory_space<hbm>> -> memref<16x2048xf32, #tpu.memory_space<hbm>>
    %dma_start3A_427 = arith.constant 0 : i32
    %dma_start3A_428 = arith.constant 0 : i32
    %dma_start3A_429 = tpu.memref_slice %arg4[%arg1, %dma_start3A_427, %dma_start3A_428] : memref<16x16x2048xf32, #tpu.memory_space<vmem_shared>> -> memref<1x16x2048xf32, #tpu.memory_space<vmem_shared>>
    %dma_start3A_430 = tpu.memref_squeeze %dma_start3A_429 : memref<1x16x2048xf32, #tpu.memory_space<vmem_shared>> -> memref<16x2048xf32, #tpu.memory_space<vmem_shared>>
    tpu.enqueue_dma source(%dma_start3A_430 : memref<16x2048xf32, #tpu.memory_space<vmem_shared>>) target(%dma_start3A_426 : memref<16x2048xf32, #tpu.memory_space<hbm>>) target_semaphore(%arg10 : memref<!tpu.dma_semaphore, #tpu.memory_space<semaphore_mem>>)
    %dma_wait3A_431 = arith.constant 0 : i32
    %dma_wait3A_432 = tpu.memref_slice %arg3[%add3A_396, %dma_wait3A_431] : memref<8192x2048xf32, #tpu.memory_space<hbm>> -> memref<16x2048xf32, #tpu.memory_space<hbm>>
    %dma_wait3A_433 = arith.constant 0 : i32
    %dma_wait3A_434 = arith.constant 0 : i32
    %dma_wait3A_435 = tpu.memref_slice %arg5[%arg1, %dma_wait3A_433, %dma_wait3A_434] : memref<16x16x2048xf32, #tpu.memory_space<vmem_shared>> -> memref<1x16x2048xf32, #tpu.memory_space<vmem_shared>>
    %dma_wait3A_436 = tpu.memref_squeeze %dma_wait3A_435 : memref<1x16x2048xf32, #tpu.memory_space<vmem_shared>> -> memref<16x2048xf32, #tpu.memory_space<vmem_shared>>
    tpu.wait_dma2 semaphore(%arg11 : memref<!tpu.dma_semaphore, #tpu.memory_space<semaphore_mem>>) src(%dma_wait3A_436 : memref<16x2048xf32, #tpu.memory_space<vmem_shared>>) dst(%dma_wait3A_432 : memref<16x2048xf32, #tpu.memory_space<hbm>>)
    %dma_wait3A_437 = arith.constant 0 : i32
    %dma_wait3A_438 = tpu.memref_slice %arg3[%add3A_410, %dma_wait3A_437] : memref<8192x2048xf32, #tpu.memory_space<hbm>> -> memref<16x2048xf32, #tpu.memory_space<hbm>>
    %dma_wait3A_439 = arith.constant 0 : i32
    %dma_wait3A_440 = arith.constant 0 : i32
    %dma_wait3A_441 = tpu.memref_slice %arg6[%arg1, %dma_wait3A_439, %dma_wait3A_440] : memref<16x16x2048xf32, #tpu.memory_space<vmem_shared>> -> memref<1x16x2048xf32, #tpu.memory_space<vmem_shared>>
    %dma_wait3A_442 = tpu.memref_squeeze %dma_wait3A_441 : memref<1x16x2048xf32, #tpu.memory_space<vmem_shared>> -> memref<16x2048xf32, #tpu.memory_space<vmem_shared>>
    tpu.wait_dma2 semaphore(%arg12 : memref<!tpu.dma_semaphore, #tpu.memory_space<semaphore_mem>>) src(%dma_wait3A_442 : memref<16x2048xf32, #tpu.memory_space<vmem_shared>>) dst(%dma_wait3A_438 : memref<16x2048xf32, #tpu.memory_space<hbm>>)
    %dma_wait3A_443 = arith.constant 0 : i32
    %dma_wait3A_444 = tpu.memref_slice %arg3[%add3A_424, %dma_wait3A_443] : memref<8192x2048xf32, #tpu.memory_space<hbm>> -> memref<16x2048xf32, #tpu.memory_space<hbm>>
    %dma_wait3A_445 = arith.constant 0 : i32
    %dma_wait3A_446 = arith.constant 0 : i32
    %dma_wait3A_447 = tpu.memref_slice %arg4[%arg1, %dma_wait3A_445, %dma_wait3A_446] : memref<16x16x2048xf32, #tpu.memory_space<vmem_shared>> -> memref<1x16x2048xf32, #tpu.memory_space<vmem_shared>>
    %dma_wait3A_448 = tpu.memref_squeeze %dma_wait3A_447 : memref<1x16x2048xf32, #tpu.memory_space<vmem_shared>> -> memref<16x2048xf32, #tpu.memory_space<vmem_shared>>
    tpu.wait_dma2 semaphore(%arg10 : memref<!tpu.dma_semaphore, #tpu.memory_space<semaphore_mem>>) src(%dma_wait3A_448 : memref<16x2048xf32, #tpu.memory_space<vmem_shared>>) dst(%dma_wait3A_444 : memref<16x2048xf32, #tpu.memory_space<hbm>>)
    return
  }
}

</mosaic_0001>

<sc_bundles>
// kernel: kernel.3.cloned.1.call-start
scs
__scs_entry_jumppad:
0x0: {  	(pc) =	sbr.rel $0x88, $3  }
0x1: {  	(tag) =	ssettag $0x0;
	lr =	simm.s32 $0x1  }
0x2: {  	[smem:$0x3FA0] =	sst lr;
	_ =	strace $0xD0000000  }
0x3: {  	_ = 	snop  }
0x4: {  	_ = 	snop  }
0x5: {  	_ = 	snop  }
0x6: {  	_ = 	snop  }
0x7: {  	_ = 	snop  }
__scs_overlays_trampoline_lowered:
0x8: {  	[smem:$0x3FAF] =	sst s0  }
0x9: {  	[smem:$0x3FB0] =	sst s1  }
0xa: {  	[smem:$0x3FB1] =	sst s2  }
0xb: {  	[smem:$0x3FB2] =	sst s3  }
0xc: {  	[smem:$0x3FB3] =	sst s4  }
0xd: {  	[smem:$0x3FB4] =	sst s5  }
0xe: {  	[smem:$0x3FB5] =	sst s6  }
0xf: {  	[smem:$0x3FB6] =	sst s7  }
0x10: {  	[smem:$0x3FB7] =	sst s8  }
0x11: {  	[smem:$0x3FB8] =	sst s9;
	s0 =	simm.s32 @!p0 $0x0  }
0x12: {  	s1 =	sld [smem:$0x3F9E];
	s0 =	simm.s32 @p0 $0x1  }
0x13: {  	[smem:$0x3FB9] =	sst s0;
	s0 =	simm.s32 @!p1 $0x0  }
0x14: {  	s2 =	sld [smem:$0x3F9D];
	s0 =	simm.s32 @p1 $0x1  }
0x15: {  	[smem:$0x3FBA] =	sst s0;
	s0 =	simm.s32 @!p2 $0x0  }
0x16: {  	s3 =	sld [smem:$0x3FDB];
	s0 =	simm.s32 @p2 $0x1  }
0x17: {  	s4 =	simm.s32 $0x1BF5;
	[smem:$0x3FBC] =	sst s0  }
0x18: {  	s0 =	sld [smem:$0x3F9F];
	_ =	swait.ge [sflag:s4], $0x0  }
0x19: {  	s7 =	sld [smem:$0x3FA0]  }
0x1a: {  	s8 =	sadd.s32 $0xFFFFE003, lr  }
0x1b: {  	s9 =	sadd.s32 $0xFFFFFEF7, lr;
	s5 =	simm.s32 $0xFFFFFFFF;
	p2 =	slt.u32 s8, $0xFFFFF086  }
0x1c: {  	p1 =	slt.u32 s9, $0xF7A;
	s5 =	simm.s32 @!p2 $0x0  }
0x1d: {  	s5 =	simm.s32 @p1 $0x1;
	p0 =	seq.s32 s7, s2  }
0x1e: {  	s7 =	smul.u32 @!p0 $0xF7A, s2;
	p2 =	seq.s32 @!p0 s5, $0x0  }
0x1f: {  	s9 =	smul.u32 $0xF7A, s1;
	s8 =	simm.s32 @!p0 $0x1BF5;
	p2 =	por !p2, p0  }
0x20: {  	[sflag:s8] =	ssyncset.s32 @!p0 $0xFFFFF086;
	s6 =	sadd.s32 @!p0 s3, s7;
	s7 =	simm.s32 @!p0 $0x108  }
0x21: {  	s3 =	sadd.s32 s3, s9;
	s6 =	sadd.s32 @!p0 $0x88, s6;
	s7 =	simm.s32 @p2 $0x1082  }
0x22: {  	[simem:s7], [sflag:s8] =	dma.local @!p0 [hbm:s6], $0xF7A  }
0x23: {  	s9 =	sor.u32 $0xD0000000, s2;
	s6 =	simm.s32 $0x108;
	_ =	swait.ge @!p0 [sflag:s8], $0x0  }
0x24: {  	s3 =	sadd.s32 $0x88, s3;
	s6 =	simm.s32 @!p1 $0x1082;
	[sflag:s4] =	ssyncset.s32 $0xFFFFF086  }
0x25: {  	[simem:s6], [sflag:s4] =	dma.local [hbm:s3], $0xF7A  }
0x26: {  	[smem:$0x3FA0] =	sst s1;
	(tag) =	ssettag s2;
	_ =	strace s9  }
0x27: {  	s1 =	sld [smem:$0x3FB0]  }
0x28: {  	s2 =	sld [smem:$0x3FB1]  }
0x29: {  	s4 =	sld [smem:$0x3FB3]  }
0x2a: {  	p0 =	seq.s32 s5, $0x0;
	s5 =	sld [smem:$0x3FB4]  }
0x2b: {  	s6 =	sld [smem:$0x3FB5]  }
0x2c: {  	s7 =	sld [smem:$0x3FB6]  }
0x2d: {  	s3 =	simm.s32 $0x108;
	s8 =	sld [smem:$0x3FB7]  }
0x2e: {  	s3 =	simm.s32 @!p0 $0x1082;
	s9 =	sld [smem:$0x3FB8]  }
0x2f: {  	lr =	sadd.s32 s0, s3;
	s0 =	sld [smem:$0x3FAF]  }
0x30: {  	s3 =	sld [smem:$0x3FB2]  }
0x31: {  	[smem:$0x3FBB] =	sst s10  }
0x32: {  	s10 =	sld [smem:$0x3FB9];
	_ =	sdelay $0x3  }
0x33: {  	p0 =	seq.s32 s10, $0x1;
	s10 =	sld [smem:$0x3FBB];
	_ =	sdelay $0x3  }
0x34: {  	[smem:$0x3FBB] =	sst s10  }
0x35: {  	s10 =	sld [smem:$0x3FBA];
	_ =	sdelay $0x3  }
0x36: {  	p1 =	seq.s32 s10, $0x1;
	s10 =	sld [smem:$0x3FBB];
	_ =	sdelay $0x3  }
0x37: {  	[smem:$0x3FBB] =	sst s10  }
0x38: {  	s10 =	sld [smem:$0x3FBC]  }
0x39: {  	_ = 	snop;
	(pc) =	sbr.ind lr, $3  }
0x3a: {  	_ = 	snop  }
0x3b: {  	_ = 	snop  }
0x3c: {  	p2 =	seq.s32 s10, $0x1;
	s10 =	sld [smem:$0x3FBB]  }
0x3d: {  	_ =	shalt  }
0x3e: {  	_ =	shalt  }
0x3f: {  	_ =	shalt  }
0x40: {  	_ =	shalt  }
0x41: {  	_ =	shalt  }
0x42: {  	_ =	shalt  }
0x43: {  	_ =	shalt  }
0x44: {  	_ =	shalt  }
0x45: {  	_ =	shalt  }
0x46: {  	_ =	shalt  }
0x47: {  	_ =	shalt  }
0x48: {  	_ =	shalt  }
0x49: {  	_ =	shalt  }
0x4a: {  	_ =	shalt  }
0x4b: {  	_ =	shalt  }
0x4c: {  	_ =	shalt  }
0x4d: {  	_ =	shalt  }
0x4e: {  	_ =	shalt  }
0x4f: {  	_ =	shalt  }
0x50: {  	_ =	shalt  }
0x51: {  	_ =	shalt  }
0x52: {  	_ =	shalt  }
0x53: {  	_ =	shalt  }
0x54: {  	_ =	shalt  }
0x55: {  	_ =	shalt  }
0x56: {  	_ =	shalt  }
0x57: {  	_ =	shalt  }
0x58: {  	_ =	shalt  }
0x59: {  	_ =	shalt  }
0x5a: {  	_ =	shalt  }
0x5b: {  	_ =	shalt  }
0x5c: {  	_ =	shalt  }
0x5d: {  	_ =	shalt  }
0x5e: {  	_ =	shalt  }
0x5f: {  	_ =	shalt  }
0x60: {  	_ =	shalt  }
0x61: {  	_ =	shalt  }
0x62: {  	_ =	shalt  }
0x63: {  	_ =	shalt  }
0x64: {  	_ =	shalt  }
0x65: {  	_ =	shalt  }
0x66: {  	_ =	shalt  }
0x67: {  	_ =	shalt  }
0x68: {  	_ =	shalt  }
0x69: {  	_ =	shalt  }
0x6a: {  	_ =	shalt  }
0x6b: {  	_ =	shalt  }
0x6c: {  	_ =	shalt  }
0x6d: {  	_ =	shalt  }
0x6e: {  	_ =	shalt  }
0x6f: {  	_ =	shalt  }
0x70: {  	_ =	shalt  }
0x71: {  	_ =	shalt  }
0x72: {  	_ =	shalt  }
0x73: {  	_ =	shalt  }
0x74: {  	_ =	shalt  }
0x75: {  	_ =	shalt  }
0x76: {  	_ =	shalt  }
0x77: {  	_ =	shalt  }
0x78: {  	_ =	shalt  }
0x79: {  	_ =	shalt  }
0x7a: {  	_ =	shalt  }
0x7b: {  	_ =	shalt  }
0x7c: {  	_ =	shalt  }
0x7d: {  	_ =	shalt  }
0x7e: {  	_ =	shalt  }
0x7f: {  	_ =	shalt  }
0x80: {  	_ =	shalt  }
0x81: {  	_ =	shalt  }
0x82: {  	_ =	shalt  }
0x83: {  	_ =	shalt  }
0x84: {  	_ =	shalt  }
0x85: {  	_ =	shalt  }
0x86: {  	_ =	shalt  }
0x87: {  	_ =	shalt  }
.Lfunc_end0:
.L_simem_size_0:
called_computation_lowered:
.L_overlay_start_0:
0x88: {  	s2 =	sld [smem:$0x3FD9]  }
0x89: {  	s3 =	sld [smem:$0x3FFE];
	_ =	sdelay $0x1  }
0x8a: {  	s1 =	srdreg.scid  }
0x8b: {  	s0 =	sand.u32 $0x1, s1  }
0x8c: {  	s18 =	sshll.u32 s0, $0xA;
	s2 =	sadd.s32 s3, s2  }
0x8d: {  	s2 =	sadd.s32 s2, s18  }
0x8e: {  	[smem:$0x3FC7] =	sst s2  }
0x8f: {  	_ = 	snop  }
0x90: {  	s2 =	sld [smem:$0x3FC9]  }
0x91: {  	s19 =	sld [smem:$0x3FD0];
	(tm) =	ssettm $0x1  }
0x92: {  	s4 =	sld [smem:$0x3FFB];
	_ =	sdelay $0x3  }
0x93: {  	_ =	strace s4  }
0x94: {  	s4 =	sld [smem:$0x3FFC];
	_ =	sdelay $0x3  }
0x95: {  	_ =	strace s4  }
0x96: {  	s4 =	sld [smem:$0x3FFD];
	_ =	sdelay $0x3  }
0x97: {  	_ =	strace s4  }
0x98: {  	_ =	strace $0x8FFFFFFF  }
0x99: {  	s20 =	sld [smem:$0x3FDB];
	_ =	sdelay $0x1  }
0x9a: {  	s5 =	simm.s32 $_scs_section_size  }
0x9b: {  	s6 =	simm.s32 $_size__tile_overlayer_lowered;
	s7 =	simm.s32 $_tile_overlayer_lowered  }
0x9c: {  	s23 =	simm.s32 $0x1BFF;
	s22 =	sshll.u32 s7, $0x1;
	s4 =	sadd.s32 s5, s20  }
0x9d: {  	s8 =	simm.s32 $0x0;
	s21 =	sshll.u32 s6, $0x1;
	s6 =	sadd.s32 s22, s4  }
0x9e: {  	[timem:s8], [sflag:s23] =	dma.local [hbm:s6], s21  }
0x9f: {  	_ =	swait.ge [sflag:s23], s21  }
0xa0: {  	s5 =	ssub.s32 $0x0, s21;
	[sflag:s23] =	ssyncset.done $0x0  }
0xa1: {  	[sflag:s23] =	ssyncadd.s32 s5;
	_ =	sdelay $0x1  }
0xa2: {  	s24 =	simm.s32 $0x1B8B  }
0xa3: {  	_ =	swait.ge [sflag:s24], $0x1  }
0xa4: {  	[sflag:s24] =	ssyncset.done $0x0  }
0xa5: {  	s25 =	simm.s32 $0x1B8E;
	[sflag:s24] =	ssyncadd.s32 $0xFFFFFFFF  }
0xa6: {  	s26 =	simm.s32 $execute0_lowered;
	[smem:$0x3FD2] =	sst s25  }
0xa7: {  	s5 =	sshll.u32 s26, $0x1;
	_ =	strace $0x80000046;
	[dreg:$0x1] =	wrdreg $0xFFFFFFFF  }
0xa8: {  	s28 =	simm.s32 $_size_execute0_lowered;
	s4 =	sadd.s32 s4, s5;
	[dreg:$0x0] =	wrdreg $0x0  }
0xa9: {  	s5 =	sshll.u32 s28, $0x1;
	[dreg:$0x2] =	wrdreg s4  }
0xaa: {  	[dreg:$0x3] =	wrdreg s5  }
0xab: {  	[dreg:$0x4] =	wrdreg $0xC0  }
0xac: {  	_ =	task [dreg:s8], $0x5FFFF  }
0xad: {  	[dreg:$0x1] =	wrdreg $0xFFFFFFFF  }
0xae: {  	[dreg:$0x0] =	wrdreg $0x60  }
0xaf: {  	[dreg:$0x2] =	wrdreg s2  }
0xb0: {  	[dreg:$0x3] =	wrdreg s19  }
0xb1: {  	[dreg:$0x4] =	wrdreg $0x0  }
0xb2: {  	[dreg:$0x5] =	wrdreg $0x80000  }
0xb3: {  	[dreg:$0x6] =	wrdreg $0x100000  }
0xb4: {  	[dreg:$0x7] =	wrdreg $0x9  }
0xb5: {  	_ =	task.clear_ibuf [dreg:s8], $0x8FFFF;
	_ =	strace $0x90000046  }
0xb6: {  	s29 =	simm.s32 $0x9;
	_ =	strace $0x80000048  }
0xb7: {  	_ =	swait.ge [sflag:s29], $0x1  }
0xb8: {  	[sflag:s29] =	ssyncadd.s32 $0xFFFFFFFF  }
0xb9: {  	_ =	strace $0x90000048  }
0xba: {  	_ =	sfence  }
0xbb: {  	s30 =	sld [smem:$0x0];
	_ =	sdelay $0x2  }
0xbc: {  	s31 =	sshll.u32 s1, $0xD;
	s1 =	sshrl.u32 s1, $0x2  }
0xbd: {  	s3 =	sand.u32 $0x4000, s31;
	s1 =	sadd.s32 s1, s30  }
0xbe: {  	s0 =	sor.u32 s3, s0;
	s1 =	sshll.u32 s1, $0x11  }
0xbf: {  	s0 =	sor.u32 s1, s0  }
0xc0: {  	s0 =	sadd.s32 $0x8F2B, s0  }
0xc1: {  	[sflag:s0] =	ssyncadd.remote.s32 $0x1  }
0xc2: {  	_ =	sfence.sel $0xFFFF  }
0xc3: {  	[dreg:$0x0] =	wrdreg $0xFFFFFFFF;
	(pc) =	sbr.abs _section_cstart, $3  }
0xc4: {  	[dreg:$0x1] =	wrdreg $0xFFFFFFFF  }
0xc5: {  	_ =	task.clear_ibuf [dreg:s8], $0x2FFFF;
	_ =	strace $0x9FFFFFFF  }
0xc6: {  	(tm) =	ssettm $0x7FFFFFFF  }
0xc7: {  	_ =	shalt  }
tec
execute0_lowered:
.L_overlay_start_1:
0x0: {  	(tag) =	ssettag $0x1  }
0x1: {  	s1 =	rddreg [dreg:$0x0]  }
0x2: {  	s0 =	rddreg [dreg:$0x1]  }
0x3: {  	s2 =	rddreg [dreg:$0x2]  }
0x4: {  	s5 =	rddreg [dreg:$0x3]  }
0x5: {  	s4 =	rddreg [dreg:$0x4]  }
0x6: {  	s3 =	srdreg.scid;
	s12 =	stileid.u32  }
0x7: {  	s25 =	simm.s32 $0x0;
	p0 =	por $0x0, $0x0;
	s6 =	sand.u32 $0x1, s3  }
0x8: {  	s7 =	sshll.u32 s12, $0x11;
	[smem:$0x7FF] =	sst s25;
	s8 =	sshll.u32 s6, $0x10  }
0x9: {  	s20 =	sshll.u32 s12, $0xF;
	s28 =	sshll.u32 s12, $0x6;
	s3 =	sor.u32 s8, s7  }
0xa: {  	_ =	strace $0x80000047;
	s6 =	ssub.s32 $0x2, s6;
	s7 =	sadd.s32 s1, s3  }
0xb: {  	s8 =	sor.u32 $0x1000, s3;
	s30 =	sadd.s32 s0, s3;
	[dreg:$0x6] =	wrdreg s7  }
0xc: {  	s9 =	sor.u32 $0x2000, s3;
	s26 =	sadd.s32 s1, s8;
	[dreg:$0x9] =	wrdreg s30  }
0xd: {  	s10 =	sor.u32 $0x3000, s3;
	s29 =	sadd.s32 s1, s9;
	[dreg:$0x7] =	wrdreg s26  }
0xe: {  	s11 =	sshrl.u32 s6, $0x1;
	s31 =	sadd.s32 s1, s10;
	[dreg:$0x8] =	wrdreg s29  }
0xf: {  	s13 =	sor.u32 $0x4000, s3;
	s8 =	sadd.s32 s0, s8;
	[dreg:$0xa] =	wrdreg s31  }
0x10: {  	s16 =	sor.u32 $0x5000, s3;
	s14 =	sadd.s32 s1, s13;
	[dreg:$0xb] =	wrdreg s8  }
0x11: {  	s11 =	ssub.s32 s6, s11;
	s15 =	sadd.s32 s0, s9;
	[dreg:$0xc] =	wrdreg s14  }
0x12: {  	s19 =	sor.u32 $0x6000, s3;
	s17 =	sadd.s32 s1, s16;
	[dreg:$0xd] =	wrdreg s15  }
0x13: {  	s23 =	sor.u32 $0x7000, s3;
	s18 =	sadd.s32 s0, s10;
	[dreg:$0xe] =	wrdreg s17  }
0x14: {  	s21 =	sadd.s32 s1, s19;
	s22 =	sadd.s32 s0, s13;
	[dreg:$0xf] =	wrdreg s18  }
0x15: {  	s24 =	sadd.s32 s1, s23;
	s25 =	sadd.s32 s0, s16;
	[dreg:$0x10] =	wrdreg s21  }
0x16: {  	s7 =	sadd.s32 s0, s19;
	s30 =	sor.u32 $0x9000, s3;
	[dreg:$0x11] =	wrdreg s22  }
0x17: {  	s10 =	sadd.s32 s20, s4;
	s16 =	sor.u32 $0xA000, s3;
	[dreg:$0x12] =	wrdreg s24  }
0x18: {  	s9 =	simm.s32 $0x1;
	s14 =	sadd.s32 s20, s2;
	[dreg:$0x13] =	wrdreg s25  }
0x19: {  	s26 =	sor.u32 $0x8000, s3;
	s2 =	sor.u32 $0x1C01, s28;
	[dreg:$0x15] =	wrdreg s7  }
0x1a: {  	s31 =	sadd.s32 s1, s30;
	s17 =	sadd.s32 s20, s5;
	s8 =	sadd.s32 s0, s23  }
0x1b: {  	s25 =	sadd.s32 s1, s16;
	s18 =	sor.u32 $0xB000, s3;
	s22 =	sadd.s32 s0, s30  }
0x1c: {  	s20 =	sadd.s32 s0, s16;
	s30 =	sor.u32 $0xE000, s3;
	[dreg:$0x16] =	wrdreg s31  }
0x1d: {  	s7 =	simm.s32 $0x5;
	s29 =	sadd.s32 s1, s26;
	[dreg:$0x17] =	wrdreg s8  }
0x1e: {  	s24 =	sadd.s32 s0, s26;
	s23 =	sadd.s32 s1, s18;
	s26 =	sor.u32 $0xC000, s3  }
0x1f: {  	s16 =	sadd.s32 s0, s18;
	s15 =	sadd.s32 s1, s30;
	s6 =	sadd.s32 s0, s30  }
0x20: {  	s31 =	smax.u32 s11, $0x1;
	s5 =	sshrl.u32 s14, $0x3;
	s14 =	sshrl.u32 s17, $0x3  }
0x21: {  	s11 =	sshrl.u32 s10, $0x3;
	s17 =	simm.s32 $0x2;
	p1 =	sne.s32 s31, $0x1  }
.Ltmp0:
0x22: {  	s18 =	simm.s32 $0x3;
	s10 =	simm.s32 $0x6;
	(pc) =	sbr.rel @!p1 .LBB2_5-.Ltmp0, $4  }
0x23: {  	[dreg:$0x14] =	wrdreg s29;
	s21 =	sadd.s32 s1, s26;
	s29 =	sor.u32 $0xD000, s3  }
0x24: {  	s13 =	sadd.s32 s0, s26;
	s3 =	sor.u32 $0xF000, s3;
	s26 =	rddreg [dreg:$0x6]  }
0x25: {  	s19 =	sadd.s32 s1, s29;
	s12 =	sadd.s32 s1, s3;
	s8 =	sadd.s32 s0, s29  }
0x26: {  	s4 =	sadd.s32 s0, s3;
	s3 =	simm.s32 $0x4;
	s0 =	sadd.s32 $0xFFFFFFFF, s31  }
0x27: {  	[spmem:s5], [sflag:s2] =	dma.local [hbm:s26], $0x1000  }
0x28: {  	[dreg:$0x19] =	wrdreg s0  }
0x29: {  	s1 =	smov.u32 s28;
	s28 =	sor.u32 $0x1C02, s28;
	s26 =	rddreg [dreg:$0x7]  }
0x2a: {  	[spmem:s14], [sflag:s28] =	dma.local [hbm:s26], $0x1000  }
0x2b: {  	s29 =	sor.u32 $0x1C03, s1;
	s0 =	rddreg [dreg:$0x8]  }
0x2c: {  	[spmem:s11], [sflag:s29] =	dma.local [hbm:s0], $0x1000  }
0x2d: {  	_ =	swait.ge [sflag:s9], $0x1000  }
0x2e: {  	[sflag:s9] =	ssyncset.done $0x0  }
0x2f: {  	s30 =	sor.u32 $0x1C04, s1;
	s26 =	rddreg [dreg:$0x9];
	[sflag:s9] =	ssyncadd.s32 $0xFFFFF000  }
0x30: {  	[hbm:s26], [sflag:s30] =	dma.local [spmem:s5], $0x1000  }
0x31: {  	_ =	swait.ge [sflag:s3], $0x1000  }
0x32: {  	[sflag:s3] =	ssyncset.done $0x0  }
0x33: {  	s26 =	rddreg [dreg:$0xa];
	[sflag:s3] =	ssyncadd.s32 $0xFFFFF000  }
0x34: {  	[spmem:s5], [sflag:s2] =	dma.local [hbm:s26], $0x1000  }
0x35: {  	_ =	swait.ge [sflag:s17], $0x1000  }
0x36: {  	[sflag:s17] =	ssyncset.done $0x0  }
0x37: {  	s31 =	sor.u32 $0x1C05, s1;
	s26 =	rddreg [dreg:$0xb];
	[sflag:s17] =	ssyncadd.s32 $0xFFFFF000  }
0x38: {  	[hbm:s26], [sflag:s31] =	dma.local [spmem:s14], $0x1000  }
0x39: {  	_ =	swait.ge [sflag:s7], $0x1000  }
0x3a: {  	[sflag:s7] =	ssyncset.done $0x0  }
0x3b: {  	s26 =	rddreg [dreg:$0xc];
	[sflag:s7] =	ssyncadd.s32 $0xFFFFF000  }
0x3c: {  	[spmem:s14], [sflag:s28] =	dma.local [hbm:s26], $0x1000  }
0x3d: {  	_ =	swait.ge [sflag:s18], $0x1000  }
0x3e: {  	[dreg:$0x18] =	wrdreg s1;
	[sflag:s18] =	ssyncset.done $0x0  }
0x3f: {  	s0 =	sor.u32 $0x1C06, s1;
	s26 =	rddreg [dreg:$0xd];
	[sflag:s18] =	ssyncadd.s32 $0xFFFFF000  }
0x40: {  	[hbm:s26], [sflag:s0] =	dma.local [spmem:s11], $0x1000  }
0x41: {  	_ =	swait.ge [sflag:s10], $0x1000  }
0x42: {  	[sflag:s10] =	ssyncset.done $0x0  }
0x43: {  	s1 =	rddreg [dreg:$0xe];
	[sflag:s10] =	ssyncadd.s32 $0xFFFFF000  }
0x44: {  	[spmem:s11], [sflag:s29] =	dma.local [hbm:s1], $0x1000  }
0x45: {  	_ =	swait.ge [sflag:s9], $0x1000  }
0x46: {  	[sflag:s9] =	ssyncset.done $0x0  }
0x47: {  	s1 =	rddreg [dreg:$0xf];
	[sflag:s9] =	ssyncadd.s32 $0xFFFFF000  }
0x48: {  	[hbm:s1], [sflag:s30] =	dma.local [spmem:s5], $0x1000  }
0x49: {  	_ =	swait.ge [sflag:s3], $0x1000  }
0x4a: {  	[sflag:s3] =	ssyncset.done $0x0  }
0x4b: {  	s1 =	rddreg [dreg:$0x10];
	[sflag:s3] =	ssyncadd.s32 $0xFFFFF000  }
0x4c: {  	[spmem:s5], [sflag:s2] =	dma.local [hbm:s1], $0x1000  }
0x4d: {  	_ =	swait.ge [sflag:s17], $0x1000  }
0x4e: {  	[sflag:s17] =	ssyncset.done $0x0  }
0x4f: {  	s1 =	rddreg [dreg:$0x11];
	[sflag:s17] =	ssyncadd.s32 $0xFFFFF000  }
0x50: {  	[hbm:s1], [sflag:s31] =	dma.local [spmem:s14], $0x1000  }
0x51: {  	_ =	swait.ge [sflag:s7], $0x1000  }
0x52: {  	[sflag:s7] =	ssyncset.done $0x0  }
0x53: {  	s1 =	rddreg [dreg:$0x12];
	[sflag:s7] =	ssyncadd.s32 $0xFFFFF000  }
0x54: {  	[spmem:s14], [sflag:s28] =	dma.local [hbm:s1], $0x1000  }
0x55: {  	_ =	swait.ge [sflag:s18], $0x1000  }
0x56: {  	[sflag:s18] =	ssyncset.done $0x0  }
0x57: {  	s1 =	rddreg [dreg:$0x13];
	[sflag:s18] =	ssyncadd.s32 $0xFFFFF000  }
0x58: {  	[hbm:s1], [sflag:s0] =	dma.local [spmem:s11], $0x1000  }
0x59: {  	_ =	swait.ge [sflag:s10], $0x1000  }
0x5a: {  	[sflag:s10] =	ssyncset.done $0x0  }
0x5b: {  	s1 =	rddreg [dreg:$0x14];
	[sflag:s10] =	ssyncadd.s32 $0xFFFFF000  }
0x5c: {  	[spmem:s11], [sflag:s29] =	dma.local [hbm:s1], $0x1000  }
0x5d: {  	_ =	swait.ge [sflag:s9], $0x1000  }
0x5e: {  	[sflag:s9] =	ssyncset.done $0x0  }
0x5f: {  	s1 =	rddreg [dreg:$0x15];
	[sflag:s9] =	ssyncadd.s32 $0xFFFFF000  }
0x60: {  	[hbm:s1], [sflag:s30] =	dma.local [spmem:s5], $0x1000  }
0x61: {  	_ =	swait.ge [sflag:s3], $0x1000  }
0x62: {  	[sflag:s3] =	ssyncset.done $0x0  }
0x63: {  	s1 =	rddreg [dreg:$0x16];
	[sflag:s3] =	ssyncadd.s32 $0xFFFFF000  }
0x64: {  	[spmem:s5], [sflag:s2] =	dma.local [hbm:s1], $0x1000  }
0x65: {  	_ =	swait.ge [sflag:s17], $0x1000  }
0x66: {  	[sflag:s17] =	ssyncset.done $0x0  }
0x67: {  	s1 =	rddreg [dreg:$0x17];
	[sflag:s17] =	ssyncadd.s32 $0xFFFFF000  }
0x68: {  	[hbm:s1], [sflag:s31] =	dma.local [spmem:s14], $0x1000  }
0x69: {  	_ =	swait.ge [sflag:s7], $0x1000  }
0x6a: {  	[sflag:s7] =	ssyncset.done $0x0  }
0x6b: {  	[sflag:s7] =	ssyncadd.s32 $0xFFFFF000  }
0x6c: {  	[spmem:s14], [sflag:s28] =	dma.local [hbm:s25], $0x1000  }
0x6d: {  	_ =	swait.ge [sflag:s18], $0x1000  }
0x6e: {  	[sflag:s18] =	ssyncset.done $0x0  }
0x6f: {  	[sflag:s18] =	ssyncadd.s32 $0xFFFFF000  }
0x70: {  	[hbm:s24], [sflag:s0] =	dma.local [spmem:s11], $0x1000  }
0x71: {  	_ =	swait.ge [sflag:s10], $0x1000  }
0x72: {  	[sflag:s10] =	ssyncset.done $0x0  }
0x73: {  	[sflag:s10] =	ssyncadd.s32 $0xFFFFF000  }
0x74: {  	[spmem:s11], [sflag:s29] =	dma.local [hbm:s23], $0x1000  }
0x75: {  	_ =	swait.ge [sflag:s9], $0x1000  }
0x76: {  	[sflag:s9] =	ssyncset.done $0x0  }
0x77: {  	[sflag:s9] =	ssyncadd.s32 $0xFFFFF000  }
0x78: {  	[hbm:s22], [sflag:s30] =	dma.local [spmem:s5], $0x1000  }
0x79: {  	_ =	swait.ge [sflag:s3], $0x1000  }
0x7a: {  	[sflag:s3] =	ssyncset.done $0x0  }
0x7b: {  	[sflag:s3] =	ssyncadd.s32 $0xFFFFF000  }
0x7c: {  	[spmem:s5], [sflag:s2] =	dma.local [hbm:s21], $0x1000  }
0x7d: {  	_ =	swait.ge [sflag:s17], $0x1000  }
0x7e: {  	[sflag:s17] =	ssyncset.done $0x0  }
0x7f: {  	[sflag:s17] =	ssyncadd.s32 $0xFFFFF000  }
0x80: {  	[hbm:s20], [sflag:s31] =	dma.local [spmem:s14], $0x1000  }
0x81: {  	_ =	swait.ge [sflag:s7], $0x1000  }
0x82: {  	[sflag:s7] =	ssyncset.done $0x0  }
0x83: {  	[sflag:s7] =	ssyncadd.s32 $0xFFFFF000  }
0x84: {  	[spmem:s14], [sflag:s28] =	dma.local [hbm:s19], $0x1000  }
0x85: {  	_ =	swait.ge [sflag:s18], $0x1000  }
0x86: {  	[sflag:s18] =	ssyncset.done $0x0  }
0x87: {  	[sflag:s18] =	ssyncadd.s32 $0xFFFFF000  }
0x88: {  	[hbm:s16], [sflag:s0] =	dma.local [spmem:s11], $0x1000  }
0x89: {  	_ =	swait.ge [sflag:s10], $0x1000  }
0x8a: {  	[sflag:s10] =	ssyncset.done $0x0  }
0x8b: {  	[sflag:s10] =	ssyncadd.s32 $0xFFFFF000  }
0x8c: {  	[spmem:s11], [sflag:s29] =	dma.local [hbm:s15], $0x1000  }
0x8d: {  	_ =	swait.ge [sflag:s9], $0x1000  }
0x8e: {  	[sflag:s9] =	ssyncset.done $0x0  }
0x8f: {  	[sflag:s9] =	ssyncadd.s32 $0xFFFFF000  }
0x90: {  	[hbm:s13], [sflag:s30] =	dma.local [spmem:s5], $0x1000  }
0x91: {  	_ =	swait.ge [sflag:s3], $0x1000  }
0x92: {  	[sflag:s3] =	ssyncset.done $0x0  }
0x93: {  	[sflag:s3] =	ssyncadd.s32 $0xFFFFF000  }
0x94: {  	[spmem:s5], [sflag:s2] =	dma.local [hbm:s12], $0x1000  }
0x95: {  	_ =	swait.ge [sflag:s17], $0x1000  }
0x96: {  	[sflag:s17] =	ssyncset.done $0x0  }
0x97: {  	[sflag:s17] =	ssyncadd.s32 $0xFFFFF000  }
0x98: {  	[hbm:s8], [sflag:s31] =	dma.local [spmem:s14], $0x1000  }
0x99: {  	_ =	swait.ge [sflag:s18], $0x1000  }
0x9a: {  	[sflag:s18] =	ssyncset.done $0x0  }
0x9b: {  	[sflag:s18] =	ssyncadd.s32 $0xFFFFF000  }
0x9c: {  	[hbm:s6], [sflag:s0] =	dma.local [spmem:s11], $0x1000  }
0x9d: {  	_ =	swait.ge [sflag:s9], $0x1000  }
0x9e: {  	[sflag:s9] =	ssyncset.done $0x0  }
0x9f: {  	[sflag:s9] =	ssyncadd.s32 $0xFFFFF000  }
0xa0: {  	[hbm:s4], [sflag:s30] =	dma.local [spmem:s5], $0x1000  }
0xa1: {  	_ =	swait.ge [sflag:s7], $0x1000  }
0xa2: {  	[sflag:s7] =	ssyncset.done $0x0  }
0xa3: {  	[sflag:s7] =	ssyncadd.s32 $0xFFFFF000  }
0xa4: {  	_ =	swait.ge [sflag:s10], $0x1000  }
0xa5: {  	s26 =	rddreg [dreg:$0x19]  }
0xa6: {  	p1 =	sne.s32 s26, $0x1  }
.Ltmp1:
0xa7: {  	_ = 	snop;
	(pc) =	sbr.rel @!p1 .LBB2_2-.Ltmp1, $4  }
0xa8: {  	[sflag:s10] =	ssyncset.done $0x0  }
0xa9: {  	[sflag:s10] =	ssyncadd.s32 $0xFFFFF000  }
0xaa: {  	p0 =	por $0x1, $0x1;
	_ =	swait.ge [sflag:s3], $0x1000  }
0xab: {  	s1 =	sadd.s32 $0xFFFFFFFF, s26;
	s26 =	rddreg [dreg:$0x6];
	[sflag:s3] =	ssyncset.done $0x0  }
.LBB2_3:
0xac: {  	[sflag:s3] =	ssyncadd.s32 $0xFFFFF000  }
0xad: {  	[spmem:s5], [sflag:s2] =	dma.local [hbm:s26], $0x1000  }
0xae: {  	s26 =	rddreg [dreg:$0x7]  }
0xaf: {  	[spmem:s14], [sflag:s28] =	dma.local [hbm:s26], $0x1000  }
0xb0: {  	s26 =	rddreg [dreg:$0x8]  }
0xb1: {  	[spmem:s11], [sflag:s29] =	dma.local [hbm:s26], $0x1000  }
0xb2: {  	_ =	swait.ge [sflag:s9], $0x1000  }
0xb3: {  	[sflag:s9] =	ssyncset.done $0x0  }
0xb4: {  	s26 =	rddreg [dreg:$0x9];
	[sflag:s9] =	ssyncadd.s32 $0xFFFFF000  }
0xb5: {  	[hbm:s26], [sflag:s30] =	dma.local [spmem:s5], $0x1000  }
0xb6: {  	_ =	swait.ge [sflag:s3], $0x1000  }
0xb7: {  	[sflag:s3] =	ssyncset.done $0x0  }
0xb8: {  	s26 =	rddreg [dreg:$0xa];
	[sflag:s3] =	ssyncadd.s32 $0xFFFFF000  }
0xb9: {  	[spmem:s5], [sflag:s2] =	dma.local [hbm:s26], $0x1000  }
0xba: {  	_ =	swait.ge [sflag:s17], $0x1000  }
0xbb: {  	[sflag:s17] =	ssyncset.done $0x0  }
0xbc: {  	s26 =	rddreg [dreg:$0xb];
	[sflag:s17] =	ssyncadd.s32 $0xFFFFF000  }
0xbd: {  	[hbm:s26], [sflag:s31] =	dma.local [spmem:s14], $0x1000  }
0xbe: {  	_ =	swait.ge [sflag:s7], $0x1000  }
0xbf: {  	[sflag:s7] =	ssyncset.done $0x0  }
0xc0: {  	s26 =	rddreg [dreg:$0xc];
	[sflag:s7] =	ssyncadd.s32 $0xFFFFF000  }
0xc1: {  	[spmem:s14], [sflag:s28] =	dma.local [hbm:s26], $0x1000  }
0xc2: {  	_ =	swait.ge [sflag:s18], $0x1000  }
0xc3: {  	[sflag:s18] =	ssyncset.done $0x0  }
0xc4: {  	s26 =	rddreg [dreg:$0xd];
	[sflag:s18] =	ssyncadd.s32 $0xFFFFF000  }
0xc5: {  	[hbm:s26], [sflag:s0] =	dma.local [spmem:s11], $0x1000  }
0xc6: {  	_ =	swait.ge [sflag:s10], $0x1000  }
0xc7: {  	[sflag:s10] =	ssyncset.done $0x0  }
0xc8: {  	s26 =	rddreg [dreg:$0xe];
	[sflag:s10] =	ssyncadd.s32 $0xFFFFF000  }
0xc9: {  	[spmem:s11], [sflag:s29] =	dma.local [hbm:s26], $0x1000  }
0xca: {  	_ =	swait.ge [sflag:s9], $0x1000  }
0xcb: {  	[sflag:s9] =	ssyncset.done $0x0  }
0xcc: {  	s26 =	rddreg [dreg:$0xf];
	[sflag:s9] =	ssyncadd.s32 $0xFFFFF000  }
0xcd: {  	[hbm:s26], [sflag:s30] =	dma.local [spmem:s5], $0x1000  }
0xce: {  	_ =	swait.ge [sflag:s3], $0x1000  }
0xcf: {  	[sflag:s3] =	ssyncset.done $0x0  }
0xd0: {  	s26 =	rddreg [dreg:$0x10];
	[sflag:s3] =	ssyncadd.s32 $0xFFFFF000  }
0xd1: {  	[spmem:s5], [sflag:s2] =	dma.local [hbm:s26], $0x1000  }
0xd2: {  	_ =	swait.ge [sflag:s17], $0x1000  }
0xd3: {  	[sflag:s17] =	ssyncset.done $0x0  }
0xd4: {  	s26 =	rddreg [dreg:$0x11];
	[sflag:s17] =	ssyncadd.s32 $0xFFFFF000  }
0xd5: {  	[hbm:s26], [sflag:s31] =	dma.local [spmem:s14], $0x1000  }
0xd6: {  	_ =	swait.ge [sflag:s7], $0x1000  }
0xd7: {  	[sflag:s7] =	ssyncset.done $0x0  }
0xd8: {  	s26 =	rddreg [dreg:$0x12];
	[sflag:s7] =	ssyncadd.s32 $0xFFFFF000  }
0xd9: {  	[spmem:s14], [sflag:s28] =	dma.local [hbm:s26], $0x1000  }
0xda: {  	_ =	swait.ge [sflag:s18], $0x1000  }
0xdb: {  	[sflag:s18] =	ssyncset.done $0x0  }
0xdc: {  	s26 =	rddreg [dreg:$0x13];
	[sflag:s18] =	ssyncadd.s32 $0xFFFFF000  }
0xdd: {  	[hbm:s26], [sflag:s0] =	dma.local [spmem:s11], $0x1000  }
0xde: {  	_ =	swait.ge [sflag:s10], $0x1000  }
0xdf: {  	[sflag:s10] =	ssyncset.done $0x0  }
0xe0: {  	s26 =	rddreg [dreg:$0x14];
	[sflag:s10] =	ssyncadd.s32 $0xFFFFF000  }
0xe1: {  	[spmem:s11], [sflag:s29] =	dma.local [hbm:s26], $0x1000  }
0xe2: {  	_ =	swait.ge [sflag:s9], $0x1000  }
0xe3: {  	[sflag:s9] =	ssyncset.done $0x0  }
0xe4: {  	s26 =	rddreg [dreg:$0x15];
	[sflag:s9] =	ssyncadd.s32 $0xFFFFF000  }
0xe5: {  	[hbm:s26], [sflag:s30] =	dma.local [spmem:s5], $0x1000  }
0xe6: {  	_ =	swait.ge [sflag:s3], $0x1000  }
0xe7: {  	[sflag:s3] =	ssyncset.done $0x0  }
0xe8: {  	s26 =	rddreg [dreg:$0x16];
	[sflag:s3] =	ssyncadd.s32 $0xFFFFF000  }
0xe9: {  	[spmem:s5], [sflag:s2] =	dma.local [hbm:s26], $0x1000  }
0xea: {  	_ =	swait.ge [sflag:s17], $0x1000  }
0xeb: {  	[sflag:s17] =	ssyncset.done $0x0  }
0xec: {  	s26 =	rddreg [dreg:$0x17];
	[sflag:s17] =	ssyncadd.s32 $0xFFFFF000  }
0xed: {  	[hbm:s26], [sflag:s31] =	dma.local [spmem:s14], $0x1000  }
0xee: {  	_ =	swait.ge [sflag:s7], $0x1000  }
0xef: {  	[sflag:s7] =	ssyncset.done $0x0  }
0xf0: {  	[sflag:s7] =	ssyncadd.s32 $0xFFFFF000  }
0xf1: {  	[spmem:s14], [sflag:s28] =	dma.local [hbm:s25], $0x1000  }
0xf2: {  	_ =	swait.ge [sflag:s18], $0x1000  }
0xf3: {  	[sflag:s18] =	ssyncset.done $0x0  }
0xf4: {  	[sflag:s18] =	ssyncadd.s32 $0xFFFFF000  }
0xf5: {  	[hbm:s24], [sflag:s0] =	dma.local [spmem:s11], $0x1000  }
0xf6: {  	_ =	swait.ge [sflag:s10], $0x1000  }
0xf7: {  	[sflag:s10] =	ssyncset.done $0x0  }
0xf8: {  	[sflag:s10] =	ssyncadd.s32 $0xFFFFF000  }
0xf9: {  	[spmem:s11], [sflag:s29] =	dma.local [hbm:s23], $0x1000  }
0xfa: {  	_ =	swait.ge [sflag:s9], $0x1000  }
0xfb: {  	[sflag:s9] =	ssyncset.done $0x0  }
0xfc: {  	[sflag:s9] =	ssyncadd.s32 $0xFFFFF000  }
0xfd: {  	[hbm:s22], [sflag:s30] =	dma.local [spmem:s5], $0x1000  }
0xfe: {  	_ =	swait.ge [sflag:s3], $0x1000  }
0xff: {  	[sflag:s3] =	ssyncset.done $0x0  }
0x100: {  	[sflag:s3] =	ssyncadd.s32 $0xFFFFF000  }
0x101: {  	[spmem:s5], [sflag:s2] =	dma.local [hbm:s21], $0x1000  }
0x102: {  	_ =	swait.ge [sflag:s17], $0x1000  }
0x103: {  	[sflag:s17] =	ssyncset.done $0x0  }
0x104: {  	[sflag:s17] =	ssyncadd.s32 $0xFFFFF000  }
0x105: {  	[hbm:s20], [sflag:s31] =	dma.local [spmem:s14], $0x1000  }
0x106: {  	_ =	swait.ge [sflag:s7], $0x1000  }
0x107: {  	[sflag:s7] =	ssyncset.done $0x0  }
0x108: {  	[sflag:s7] =	ssyncadd.s32 $0xFFFFF000  }
0x109: {  	[spmem:s14], [sflag:s28] =	dma.local [hbm:s19], $0x1000  }
0x10a: {  	_ =	swait.ge [sflag:s18], $0x1000  }
0x10b: {  	[sflag:s18] =	ssyncset.done $0x0  }
0x10c: {  	[sflag:s18] =	ssyncadd.s32 $0xFFFFF000  }
0x10d: {  	[hbm:s16], [sflag:s0] =	dma.local [spmem:s11], $0x1000  }
0x10e: {  	_ =	swait.ge [sflag:s10], $0x1000  }
0x10f: {  	[sflag:s10] =	ssyncset.done $0x0  }
0x110: {  	[sflag:s10] =	ssyncadd.s32 $0xFFFFF000  }
0x111: {  	[spmem:s11], [sflag:s29] =	dma.local [hbm:s15], $0x1000  }
0x112: {  	_ =	swait.ge [sflag:s9], $0x1000  }
0x113: {  	[sflag:s9] =	ssyncset.done $0x0  }
0x114: {  	[sflag:s9] =	ssyncadd.s32 $0xFFFFF000  }
0x115: {  	[hbm:s13], [sflag:s30] =	dma.local [spmem:s5], $0x1000  }
0x116: {  	_ =	swait.ge [sflag:s3], $0x1000  }
0x117: {  	[sflag:s3] =	ssyncset.done $0x0  }
0x118: {  	[sflag:s3] =	ssyncadd.s32 $0xFFFFF000  }
0x119: {  	[spmem:s5], [sflag:s2] =	dma.local [hbm:s12], $0x1000  }
0x11a: {  	_ =	swait.ge [sflag:s17], $0x1000  }
0x11b: {  	[sflag:s17] =	ssyncset.done $0x0  }
0x11c: {  	[sflag:s17] =	ssyncadd.s32 $0xFFFFF000  }
0x11d: {  	[hbm:s8], [sflag:s31] =	dma.local [spmem:s14], $0x1000  }
0x11e: {  	_ =	swait.ge [sflag:s18], $0x1000  }
0x11f: {  	[sflag:s18] =	ssyncset.done $0x0  }
0x120: {  	[sflag:s18] =	ssyncadd.s32 $0xFFFFF000  }
0x121: {  	[hbm:s6], [sflag:s0] =	dma.local [spmem:s11], $0x1000  }
0x122: {  	_ =	swait.ge [sflag:s9], $0x1000  }
0x123: {  	[sflag:s9] =	ssyncset.done $0x0  }
0x124: {  	[sflag:s9] =	ssyncadd.s32 $0xFFFFF000  }
0x125: {  	[hbm:s4], [sflag:s30] =	dma.local [spmem:s5], $0x1000  }
0x126: {  	_ =	swait.ge [sflag:s7], $0x1000  }
0x127: {  	[sflag:s7] =	ssyncset.done $0x0  }
0x128: {  	p1 =	sne.s32 s1, $0x1;
	[sflag:s7] =	ssyncadd.s32 $0xFFFFF000  }
.Ltmp2:
0x129: {  	_ =	swait.ge [sflag:s10], $0x1000;
	(pc) =	sbr.rel @p1 .LBB2_3-.Ltmp2, $4  }
0x12a: {  	[sflag:s10] =	ssyncset.done $0x0  }
0x12b: {  	[sflag:s10] =	ssyncadd.s32 $0xFFFFF000  }
0x12c: {  	_ =	swait.ge [sflag:s3], $0x1000  }
0x12d: {  	s1 =	sadd.s32 $0xFFFFFFFF, s1;
	s26 =	rddreg [dreg:$0x6];
	[sflag:s3] =	ssyncset.done $0x0  }
0x12e: {  	s28 =	rddreg [dreg:$0x18]  }
.LBB2_5:
0x12f: {  	[sflag:s3] =	ssyncadd.s32 @p0 $0xFFFFF000  }
0x130: {  	[spmem:s5], [sflag:s2] =	dma.local [hbm:s26], $0x1000  }
0x131: {  	s31 =	sor.u32 $0x1C02, s28;
	s0 =	rddreg [dreg:$0x7]  }
0x132: {  	[spmem:s14], [sflag:s31] =	dma.local [hbm:s0], $0x1000  }
0x133: {  	s1 =	sor.u32 $0x1C03, s28;
	s0 =	rddreg [dreg:$0x8]  }
0x134: {  	[spmem:s11], [sflag:s1] =	dma.local [hbm:s0], $0x1000  }
0x135: {  	_ =	swait.ge [sflag:s9], $0x1000  }
0x136: {  	[sflag:s9] =	ssyncset.done $0x0  }
0x137: {  	s0 =	sor.u32 $0x1C04, s28;
	s30 =	rddreg [dreg:$0x9];
	[sflag:s9] =	ssyncadd.s32 $0xFFFFF000  }
0x138: {  	[hbm:s30], [sflag:s0] =	dma.local [spmem:s5], $0x1000  }
0x139: {  	_ =	swait.ge [sflag:s3], $0x1000  }
0x13a: {  	[sflag:s3] =	ssyncset.done $0x0  }
0x13b: {  	s29 =	rddreg [dreg:$0xa];
	[sflag:s3] =	ssyncadd.s32 $0xFFFFF000  }
0x13c: {  	[spmem:s5], [sflag:s2] =	dma.local [hbm:s29], $0x1000  }
0x13d: {  	_ =	swait.ge [sflag:s17], $0x1000  }
0x13e: {  	[sflag:s17] =	ssyncset.done $0x0  }
0x13f: {  	s29 =	sor.u32 $0x1C05, s28;
	s30 =	rddreg [dreg:$0xb];
	[sflag:s17] =	ssyncadd.s32 $0xFFFFF000  }
0x140: {  	[hbm:s30], [sflag:s29] =	dma.local [spmem:s14], $0x1000  }
0x141: {  	_ =	swait.ge [sflag:s7], $0x1000  }
0x142: {  	[sflag:s7] =	ssyncset.done $0x0  }
0x143: {  	s30 =	rddreg [dreg:$0xc];
	[sflag:s7] =	ssyncadd.s32 $0xFFFFF000  }
0x144: {  	[spmem:s14], [sflag:s31] =	dma.local [hbm:s30], $0x1000  }
0x145: {  	_ =	swait.ge [sflag:s18], $0x1000  }
0x146: {  	[sflag:s18] =	ssyncset.done $0x0  }
0x147: {  	s26 =	sor.u32 $0x1C06, s28;
	s30 =	rddreg [dreg:$0xd];
	[sflag:s18] =	ssyncadd.s32 $0xFFFFF000  }
0x148: {  	[hbm:s30], [sflag:s26] =	dma.local [spmem:s11], $0x1000  }
0x149: {  	_ =	swait.ge [sflag:s10], $0x1000  }
0x14a: {  	[sflag:s10] =	ssyncset.done $0x0  }
0x14b: {  	s28 =	rddreg [dreg:$0xe];
	[sflag:s10] =	ssyncadd.s32 $0xFFFFF000  }
0x14c: {  	[spmem:s11], [sflag:s1] =	dma.local [hbm:s28], $0x1000  }
0x14d: {  	_ =	swait.ge [sflag:s9], $0x1000  }
0x14e: {  	[sflag:s9] =	ssyncset.done $0x0  }
0x14f: {  	s28 =	rddreg [dreg:$0xf];
	[sflag:s9] =	ssyncadd.s32 $0xFFFFF000  }
0x150: {  	[hbm:s28], [sflag:s0] =	dma.local [spmem:s5], $0x1000  }
0x151: {  	_ =	swait.ge [sflag:s3], $0x1000  }
0x152: {  	[sflag:s3] =	ssyncset.done $0x0  }
0x153: {  	s28 =	rddreg [dreg:$0x10];
	[sflag:s3] =	ssyncadd.s32 $0xFFFFF000  }
0x154: {  	[spmem:s5], [sflag:s2] =	dma.local [hbm:s28], $0x1000  }
0x155: {  	_ =	swait.ge [sflag:s17], $0x1000  }
0x156: {  	[sflag:s17] =	ssyncset.done $0x0  }
0x157: {  	s28 =	rddreg [dreg:$0x11];
	[sflag:s17] =	ssyncadd.s32 $0xFFFFF000  }
0x158: {  	[hbm:s28], [sflag:s29] =	dma.local [spmem:s14], $0x1000  }
0x159: {  	_ =	swait.ge [sflag:s7], $0x1000  }
0x15a: {  	[sflag:s7] =	ssyncset.done $0x0  }
0x15b: {  	s28 =	rddreg [dreg:$0x12];
	[sflag:s7] =	ssyncadd.s32 $0xFFFFF000  }
0x15c: {  	[spmem:s14], [sflag:s31] =	dma.local [hbm:s28], $0x1000  }
0x15d: {  	_ =	swait.ge [sflag:s18], $0x1000  }
0x15e: {  	[sflag:s18] =	ssyncset.done $0x0  }
0x15f: {  	s28 =	rddreg [dreg:$0x13];
	[sflag:s18] =	ssyncadd.s32 $0xFFFFF000  }
0x160: {  	[hbm:s28], [sflag:s26] =	dma.local [spmem:s11], $0x1000  }
0x161: {  	_ =	swait.ge [sflag:s10], $0x1000  }
0x162: {  	[sflag:s10] =	ssyncset.done $0x0  }
0x163: {  	s28 =	rddreg [dreg:$0x14];
	[sflag:s10] =	ssyncadd.s32 $0xFFFFF000  }
0x164: {  	[spmem:s11], [sflag:s1] =	dma.local [hbm:s28], $0x1000  }
0x165: {  	_ =	swait.ge [sflag:s9], $0x1000  }
0x166: {  	[sflag:s9] =	ssyncset.done $0x0  }
0x167: {  	s28 =	rddreg [dreg:$0x15];
	[sflag:s9] =	ssyncadd.s32 $0xFFFFF000  }
0x168: {  	[hbm:s28], [sflag:s0] =	dma.local [spmem:s5], $0x1000  }
0x169: {  	_ =	swait.ge [sflag:s3], $0x1000  }
0x16a: {  	[sflag:s3] =	ssyncset.done $0x0  }
0x16b: {  	s28 =	rddreg [dreg:$0x16];
	[sflag:s3] =	ssyncadd.s32 $0xFFFFF000  }
0x16c: {  	[spmem:s5], [sflag:s2] =	dma.local [hbm:s28], $0x1000  }
0x16d: {  	_ =	swait.ge [sflag:s17], $0x1000  }
0x16e: {  	[sflag:s17] =	ssyncset.done $0x0  }
0x16f: {  	s28 =	rddreg [dreg:$0x17];
	[sflag:s17] =	ssyncadd.s32 $0xFFFFF000  }
0x170: {  	[hbm:s28], [sflag:s29] =	dma.local [spmem:s14], $0x1000  }
0x171: {  	_ =	swait.ge [sflag:s7], $0x1000  }
0x172: {  	[sflag:s7] =	ssyncset.done $0x0  }
0x173: {  	[sflag:s7] =	ssyncadd.s32 $0xFFFFF000  }
0x174: {  	[spmem:s14], [sflag:s31] =	dma.local [hbm:s25], $0x1000  }
0x175: {  	_ =	swait.ge [sflag:s18], $0x1000  }
0x176: {  	[sflag:s18] =	ssyncset.done $0x0  }
0x177: {  	[sflag:s18] =	ssyncadd.s32 $0xFFFFF000  }
0x178: {  	[hbm:s24], [sflag:s26] =	dma.local [spmem:s11], $0x1000  }
0x179: {  	_ =	swait.ge [sflag:s10], $0x1000  }
0x17a: {  	[sflag:s10] =	ssyncset.done $0x0  }
0x17b: {  	[sflag:s10] =	ssyncadd.s32 $0xFFFFF000  }
0x17c: {  	[spmem:s11], [sflag:s1] =	dma.local [hbm:s23], $0x1000  }
0x17d: {  	_ =	swait.ge [sflag:s9], $0x1000  }
0x17e: {  	[sflag:s9] =	ssyncset.done $0x0  }
0x17f: {  	[sflag:s9] =	ssyncadd.s32 $0xFFFFF000  }
0x180: {  	[hbm:s22], [sflag:s0] =	dma.local [spmem:s5], $0x1000  }
0x181: {  	_ =	swait.ge [sflag:s3], $0x1000  }
0x182: {  	[sflag:s3] =	ssyncset.done $0x0  }
0x183: {  	[sflag:s3] =	ssyncadd.s32 $0xFFFFF000  }
0x184: {  	[spmem:s5], [sflag:s2] =	dma.local [hbm:s21], $0x1000  }
0x185: {  	_ =	swait.ge [sflag:s17], $0x1000  }
0x186: {  	[sflag:s17] =	ssyncset.done $0x0  }
0x187: {  	[sflag:s17] =	ssyncadd.s32 $0xFFFFF000  }
0x188: {  	[hbm:s20], [sflag:s29] =	dma.local [spmem:s14], $0x1000  }
0x189: {  	_ =	swait.ge [sflag:s7], $0x1000  }
0x18a: {  	[sflag:s7] =	ssyncset.done $0x0  }
0x18b: {  	[sflag:s7] =	ssyncadd.s32 $0xFFFFF000  }
0x18c: {  	[spmem:s14], [sflag:s31] =	dma.local [hbm:s19], $0x1000  }
0x18d: {  	_ =	swait.ge [sflag:s18], $0x1000  }
0x18e: {  	[sflag:s18] =	ssyncset.done $0x0  }
0x18f: {  	[sflag:s18] =	ssyncadd.s32 $0xFFFFF000  }
0x190: {  	[hbm:s16], [sflag:s26] =	dma.local [spmem:s11], $0x1000  }
0x191: {  	_ =	swait.ge [sflag:s10], $0x1000  }
0x192: {  	[sflag:s10] =	ssyncset.done $0x0  }
0x193: {  	[sflag:s10] =	ssyncadd.s32 $0xFFFFF000  }
0x194: {  	[spmem:s11], [sflag:s1] =	dma.local [hbm:s15], $0x1000  }
0x195: {  	_ =	swait.ge [sflag:s9], $0x1000  }
0x196: {  	[sflag:s9] =	ssyncset.done $0x0  }
0x197: {  	[sflag:s9] =	ssyncadd.s32 $0xFFFFF000  }
0x198: {  	[hbm:s13], [sflag:s0] =	dma.local [spmem:s5], $0x1000  }
0x199: {  	_ =	swait.ge [sflag:s3], $0x1000  }
0x19a: {  	[sflag:s3] =	ssyncset.done $0x0  }
0x19b: {  	[sflag:s3] =	ssyncadd.s32 $0xFFFFF000  }
0x19c: {  	[spmem:s5], [sflag:s2] =	dma.local [hbm:s12], $0x1000  }
0x19d: {  	_ =	swait.ge [sflag:s17], $0x1000  }
0x19e: {  	[sflag:s17] =	ssyncset.done $0x0  }
0x19f: {  	[sflag:s17] =	ssyncadd.s32 $0xFFFFF000  }
0x1a0: {  	[hbm:s8], [sflag:s29] =	dma.local [spmem:s14], $0x1000  }
0x1a1: {  	_ =	swait.ge [sflag:s18], $0x1000  }
0x1a2: {  	[sflag:s18] =	ssyncset.done $0x0  }
0x1a3: {  	[sflag:s18] =	ssyncadd.s32 $0xFFFFF000  }
0x1a4: {  	[hbm:s6], [sflag:s26] =	dma.local [spmem:s11], $0x1000  }
0x1a5: {  	_ =	swait.ge [sflag:s9], $0x1000  }
0x1a6: {  	[sflag:s9] =	ssyncset.done $0x0  }
0x1a7: {  	[sflag:s9] =	ssyncadd.s32 $0xFFFFF000  }
0x1a8: {  	[hbm:s4], [sflag:s0] =	dma.local [spmem:s5], $0x1000  }
0x1a9: {  	_ =	swait.ge [sflag:s7], $0x1000  }
0x1aa: {  	[sflag:s7] =	ssyncset.done $0x0  }
0x1ab: {  	[sflag:s7] =	ssyncadd.s32 $0xFFFFF000  }
0x1ac: {  	_ =	swait.ge [sflag:s10], $0x1000  }
0x1ad: {  	[sflag:s10] =	ssyncset.done $0x0  }
0x1ae: {  	[sflag:s10] =	ssyncadd.s32 $0xFFFFF000  }
0x1af: {  	_ =	swait.ge [sflag:s3], $0x1000  }
0x1b0: {  	[sflag:s3] =	ssyncset.done $0x0  }
0x1b1: {  	[sflag:s3] =	ssyncadd.s32 $0xFFFFF000  }
0x1b2: {  	_ =	sfence.sel $0x180000  }
0x1b3: {  	[bflag:$0x0] =	sbarrier.arrive $0xFFFF  }
0x1b4: {  	_ =	strace $0x90000047  }
0x1b5: {  	s31 =	stileid.u32;
	[bflag:$0x2] =	sbarrier.arrive $0xFFFF  }
0x1b6: {  	p0 =	sne.s32 s31, $0x0;
	s0 =	rddreg [dreg:$0x5]  }
0x1b7: {  	s0 =	sadd.s32 @!p0 $0x100000, s0  }
0x1b8: {  	[sflag:s0] =	ssyncadd.tile.s32 @!p0 $0x1;
	_ =	shalt  }
.LBB2_2:
.Ltmp3:
0x1b9: {  	(pc) =	sbr.rel .LBB2_5-.Ltmp3, $2  }
0x1ba: {  	_ =	sdelay $0x2  }
0x1bb: {  	s28 =	rddreg [dreg:$0x18]  }
.Lfunc_end2:
_tile_overlayer_lowered:
.L_overlay_start_2:
0x1bc: {  	(tag) =	ssettag $0x2  }
0x1bd: {  	s0 =	rddreg [dreg:$0x0];
	s2 =	stileid.u32  }
0x1be: {  	s1 =	rddreg [dreg:$0x1];
	p0 =	sne.s32 s2, $0x0  }
0x1bf: {  	s3 =	rddreg [dreg:$0x2];
	[bflag:$0x3] =	sbarrier.arrive $0xFFFF;
	s2 =	simm.s32 @!p0 $0x1C07  }
0x1c0: {  	[timem:s3], [sflag:s2] =	dma.local @!p0 [hbm:s0], s1  }
0x1c1: {  	s0 =	simm.s32 @!p0 $0x7  }
0x1c2: {  	_ =	swait.ge @!p0 [sflag:s0], s1  }
0x1c3: {  	s1 =	ssub.s32 @!p0 $0x0, s1;
	[sflag:s0] =	ssyncset.done @!p0 $0x0  }
0x1c4: {  	[sflag:s0] =	ssyncadd.s32 @!p0 s1  }
0x1c5: {  	[bflag:$0x3] =	sbarrier.arrive $0xFFFF  }
0x1c6: {  	_ =	shalt  }

</sc_bundles>
